<compile_context>
chip_gen: v7x
topology: tpu7x:2x2x1
jax: 0.10.2.dev20260603
libtpu: 0.0.44.dev20260713+nightly
codegen_flags: <defaults>
</compile_context>

<pallas_src>
import functools

import jax
import jax.numpy as jnp
import numpy as np
from jax import lax
from jax.experimental import pallas as pl
from jax.experimental.pallas import tpu as pltpu
from jax.experimental.pallas import tpu_sc as plsc

K = 12
NC, NS, L = 2, 16, 16
NW = NC * NS

_BP = np.linspace(0.0, 1.0, K + 1, endpoint=False)[1:].astype(np.float32)
_SCALE = np.float32(np.nextafter(K + 1, 0, dtype=np.float32))


def _sc_trend(t_flat, params, *, n):
    ch = n // NW
    nb = 2
    ck = ch // nb
    mesh = plsc.VectorSubcoreMesh(core_axis_name="c", subcore_axis_name="s")

    @functools.partial(
        pl.kernel,
        mesh=mesh,
        out_type=jax.ShapeDtypeStruct((n,), jnp.float32),
        compiler_params=pltpu.CompilerParams(needs_layout_passes=False, use_tc_tiling_on_sc=False),
        scratch_types=[
            pltpu.VMEM((3 * L,), jnp.float32),
            pltpu.VMEM((L,), jnp.float32),
            pltpu.VMEM((L,), jnp.float32),
            [pltpu.VMEM((ck,), jnp.float32)] * 2,
            [pltpu.VMEM((ck,), jnp.float32)] * 2,
            [pltpu.SemaphoreType.DMA] * 2,
            [pltpu.SemaphoreType.DMA] * 2,
        ],
    )
    def body(t_hbm, params_hbm, out_hbm, params_v, wtab_v, btab_v,
             t_v, o_v, in_sem, out_sem):
        wid = lax.axis_index("s") * NC + lax.axis_index("c")
        base = wid * ch

        pltpu.sync_copy(params_hbm, params_v)
        lanes = lax.iota(jnp.int32, L)
        wt = params_v[pl.ds(0, L)]
        bt = params_v[pl.ds(L, L)]
        for i in range(K):
            di = plsc.load_gather(
                params_v, [jnp.full((L,), 2 * L + i, jnp.int32)])
            m = lanes >= (i + 1)
            wt = wt + jnp.where(m, di, np.float32(0.0))
            bt = bt - jnp.where(m, di * _BP[i], np.float32(0.0))
        wtab_v[...] = wt * np.float32(1.0 / _SCALE)
        btab_v[...] = bt

        in_h = [None, None]
        out_h = [None, None]
        in_h[0] = pltpu.async_copy(
            t_hbm.at[pl.ds(base, ck)], t_v[0], in_sem[0])
        for c in range(nb):
            s = c % 2
            if c + 1 < nb:
                in_h[(c + 1) % 2] = pltpu.async_copy(
                    t_hbm.at[pl.ds(base + (c + 1) * ck, ck)],
                    t_v[(c + 1) % 2], in_sem[(c + 1) % 2])
            in_h[s].wait()
            if c >= 2:
                out_h[s].wait()

            @plsc.parallel_loop(0, ck, step=L, unroll=8)
            def _loop(i, tin=t_v[s], tout=o_v[s]):
                ts = tin[pl.ds(i, L)] * _SCALE
                idx = ts.astype(jnp.int32)
                wv = plsc.load_gather(wtab_v, [idx])
                bv = plsc.load_gather(btab_v, [idx])
                tout[pl.ds(i, L)] = ts * wv + bv

            out_h[s] = pltpu.async_copy(
                o_v[s], out_hbm.at[pl.ds(base + c * ck, ck)], out_sem[s])
        for c in range(max(0, nb - 2), nb):
            out_h[c % 2].wait()

    return body(t_flat, params)


def kernel(t, weight, bias, deltas):
    n = t.shape[0]
    t_flat = t.reshape(n).astype(jnp.float32)
    w16 = jnp.full((L,), weight[0, 0], jnp.float32)
    b16 = jnp.full((L,), bias[0], jnp.float32)
    d16 = jnp.concatenate(
        [deltas.astype(jnp.float32), jnp.zeros((L - K,), jnp.float32)])
    params = jnp.concatenate([w16, b16, d16])
    out = _sc_trend(t_flat, params, n=n)
    return out.reshape(n, 1)

# --- scband reference (transcript-rebuilt; emitter-appended) ---
"""Pipeline reference for scband-trend-72739566125393 (READ-ONLY COPY).

The authoritative reference and input builder live on the scoring server;
editing this copy changes nothing except your own understanding.
"""

import jax, jax.numpy as jnp
import numpy as np

K = 12
T_RANGE = (0.0, 1.0)
# np.linspace(*t_range, breakpoints+1, endpoint=False)[1:] as in the torch __init__
BPOINTS = np.linspace(T_RANGE[0], T_RANGE[1], K + 1, endpoint=False)[1:].astype(np.float32)
N = 1048576


def setup_inputs(seed: int = 0) -> dict:
    key = jax.random.key(seed)
    k1, k2, k3, k4 = jax.random.split(key, 4)
    t = jax.random.uniform(k1, (N, 1), dtype=jnp.float32)
    weight = jax.random.normal(k2, (1, 1), dtype=jnp.float32) * 0.1  # init_layer.weight
    bias = jax.random.normal(k3, (1,), dtype=jnp.float32) * 0.1      # init_layer.bias
    deltas = jax.random.normal(k4, (K,), dtype=jnp.float32) * 0.1    # self.deltas
    return {"t": t, "weight": weight, "bias": bias, "deltas": deltas}


def _copy2array(weight, bias, deltas, bpoints):
    # Faithful port of Trend.__copy2array: sequentially build the (K+1, 2) wb table
    w = weight[0, 0]
    b = bias[0]
    rows = [jnp.stack([w, b])]
    for i in range(bpoints.shape[0]):
        x1 = bpoints[i]
        d = deltas[i]
        y1 = w * x1 + b
        w = w + d
        b = y1 - w * x1
        rows.append(jnp.stack([w, b]))
    return jnp.stack(rows)  # [K+1, 2]


def reference(t, weight, bias, deltas):
    bpoints = jnp.asarray(BPOINTS, dtype=t.dtype)  # [K]
    wb = _copy2array(weight, bias, deltas, bpoints)  # [K+1, 2]
    # x_sec = (t >= bpoints).sum(1): [N,1] >= [K] -> [N,K] -> [N]
    x_sec = (t >= bpoints[None, :]).sum(axis=1)
    g = jnp.take(wb, x_sec, axis=0)  # gather: [N, 2]
    return t * g[:, :1] + g[:, 1:]   # [N, 1]

if __name__ == "__main__":
    import jax
    _d = setup_inputs()
    print(jax.jit(kernel)(*tuple(_d.values())))

</pallas_src>

<mosaic_0001>
#map = affine_map<(d0, d1) -> (0)>
module attributes {stable_mosaic.version = 14 : i64} {
  func.func @body(%arg0: i32, %arg1: i32, %arg2: memref<1048576xf32, #tpu.memory_space<hbm>>, %arg3: memref<48xf32, #tpu.memory_space<hbm>>, %arg4: memref<1048576xf32, #tpu.memory_space<hbm>>, %arg5: memref<48xf32, #tpu.memory_space<vmem>>, %arg6: memref<16xf32, #tpu.memory_space<vmem>>, %arg7: memref<16xf32, #tpu.memory_space<vmem>>, %arg8: memref<16384xf32, #tpu.memory_space<vmem>>, %arg9: memref<16384xf32, #tpu.memory_space<vmem>>, %arg10: memref<16384xf32, #tpu.memory_space<vmem>>, %arg11: memref<16384xf32, #tpu.memory_space<vmem>>, %arg12: memref<!tpu.dma_semaphore, #tpu.memory_space<semaphore_mem>>, %arg13: memref<!tpu.dma_semaphore, #tpu.memory_space<semaphore_mem>>, %arg14: memref<!tpu.dma_semaphore, #tpu.memory_space<semaphore_mem>>, %arg15: memref<!tpu.dma_semaphore, #tpu.memory_space<semaphore_mem>>) attributes {dimension_semantics = [#tpu.dimension_semantics<core_parallel>, #tpu.dimension_semantics<subcore_parallel>], iteration_bounds = array<i64: 2, 16>, scalar_prefetch = 0 : i64, scratch_operands = 11 : i64, tpu.core_type = #tpu.core_type<sc_vector_subcore>, window_params = [{transform_indices = #map}, {transform_indices = #map}, {transform_indices = #map}]} {
    %mul3A = arith.constant 2 : i32
    %mul3A_0 = arith.muli %arg1, %mul3A : i32
    %add3A = arith.addi %mul3A_0, %arg0 : i32
    %mul3A_1 = arith.constant 32768 : i32
    %mul3A_2 = arith.muli %add3A, %mul3A_1 : i32
    "tpu.region"() ({
      %run_scoped3A = tpu.sem_alloc : memref<!tpu.dma_semaphore, #tpu.memory_space<semaphore_mem>>
      tpu.enqueue_dma source(%arg3 : memref<48xf32, #tpu.memory_space<hbm>>) target(%arg5 : memref<48xf32, #tpu.memory_space<vmem>>) target_semaphore(%run_scoped3A : memref<!tpu.dma_semaphore, #tpu.memory_space<semaphore_mem>>)
      tpu.wait_dma2 semaphore(%run_scoped3A : memref<!tpu.dma_semaphore, #tpu.memory_space<semaphore_mem>>) src(%arg3 : memref<48xf32, #tpu.memory_space<hbm>>) dst(%arg5 : memref<48xf32, #tpu.memory_space<vmem>>)
      tpu.yield
    }) : () -> ()
    %iota3A = tpu.iota {dimensions = array<i32: 0>} : vector<16xi32>
    %get3A = arith.constant 0 : index
    %get3A_3 = tpu.vector_load %arg5[%get3A] {strides = array<i32>} : memref<48xf32, #tpu.memory_space<vmem>>, vector<16xf32>,
    %get3A_4 = arith.constant 16 : index
    %get3A_5 = tpu.vector_load %arg5[%get3A_4] {strides = array<i32>} : memref<48xf32, #tpu.memory_space<vmem>>, vector<16xf32>,
    %broadcast_in_dim3A = arith.constant 32 : i32
    %broadcast_in_dim3A_6 = vector.broadcast %broadcast_in_dim3A : i32 to vector<16xi32>
    %gather3A = tpu.vector_load_idx %arg5[%broadcast_in_dim3A_6] : memref<48xf32, #tpu.memory_space<vmem>>[vector<16xi32>], vector<16xf32>,
    %ge3A = arith.constant 1 : i32
    %ge3A_7 = vector.broadcast %ge3A : i32 to vector<16xi32>
    %ge3A_8 = arith.cmpi sge, %iota3A, %ge3A_7 : vector<16xi32>
    %jit3A = arith.constant 0.000000e+00 : f32
    %broadcast_in_dim3A_9 = vector.broadcast %jit3A : f32 to vector<16xf32>
    %select_n3A = arith.select %ge3A_8, %gather3A, %broadcast_in_dim3A_9 : vector<16xi1>, vector<16xf32>
    %add3A_10 = arith.addf %get3A_3, %select_n3A : vector<16xf32>
    %mul3A_11 = arith.constant 0.0769230798 : f32
    %mul3A_12 = vector.broadcast %mul3A_11 : f32 to vector<16xf32>
    %mul3A_13 = arith.mulf %gather3A, %mul3A_12 : vector<16xf32>
    %jit3A_14 = arith.constant 0.000000e+00 : f32
    %broadcast_in_dim3A_15 = vector.broadcast %jit3A_14 : f32 to vector<16xf32>
    %select_n3A_16 = arith.select %ge3A_8, %mul3A_13, %broadcast_in_dim3A_15 : vector<16xi1>, vector<16xf32>
    %sub3A = arith.subf %get3A_5, %select_n3A_16 : vector<16xf32>
    %broadcast_in_dim3A_17 = arith.constant 33 : i32
    %broadcast_in_dim3A_18 = vector.broadcast %broadcast_in_dim3A_17 : i32 to vector<16xi32>
    %gather3A_19 = tpu.vector_load_idx %arg5[%broadcast_in_dim3A_18] : memref<48xf32, #tpu.memory_space<vmem>>[vector<16xi32>], vector<16xf32>,
    %ge3A_20 = arith.constant 2 : i32
    %ge3A_21 = vector.broadcast %ge3A_20 : i32 to vector<16xi32>
    %ge3A_22 = arith.cmpi sge, %iota3A, %ge3A_21 : vector<16xi32>
    %jit3A_23 = arith.constant 0.000000e+00 : f32
    %broadcast_in_dim3A_24 = vector.broadcast %jit3A_23 : f32 to vector<16xf32>
    %select_n3A_25 = arith.select %ge3A_22, %gather3A_19, %broadcast_in_dim3A_24 : vector<16xi1>, vector<16xf32>
    %add3A_26 = arith.addf %add3A_10, %select_n3A_25 : vector<16xf32>
    %mul3A_27 = arith.constant 0.15384616 : f32
    %mul3A_28 = vector.broadcast %mul3A_27 : f32 to vector<16xf32>
    %mul3A_29 = arith.mulf %gather3A_19, %mul3A_28 : vector<16xf32>
    %jit3A_30 = arith.constant 0.000000e+00 : f32
    %broadcast_in_dim3A_31 = vector.broadcast %jit3A_30 : f32 to vector<16xf32>
    %select_n3A_32 = arith.select %ge3A_22, %mul3A_29, %broadcast_in_dim3A_31 : vector<16xi1>, vector<16xf32>
    %sub3A_33 = arith.subf %sub3A, %select_n3A_32 : vector<16xf32>
    %broadcast_in_dim3A_34 = arith.constant 34 : i32
    %broadcast_in_dim3A_35 = vector.broadcast %broadcast_in_dim3A_34 : i32 to vector<16xi32>
    %gather3A_36 = tpu.vector_load_idx %arg5[%broadcast_in_dim3A_35] : memref<48xf32, #tpu.memory_space<vmem>>[vector<16xi32>], vector<16xf32>,
    %ge3A_37 = arith.constant 3 : i32
    %ge3A_38 = vector.broadcast %ge3A_37 : i32 to vector<16xi32>
    %ge3A_39 = arith.cmpi sge, %iota3A, %ge3A_38 : vector<16xi32>
    %jit3A_40 = arith.constant 0.000000e+00 : f32
    %broadcast_in_dim3A_41 = vector.broadcast %jit3A_40 : f32 to vector<16xf32>
    %select_n3A_42 = arith.select %ge3A_39, %gather3A_36, %broadcast_in_dim3A_41 : vector<16xi1>, vector<16xf32>
    %add3A_43 = arith.addf %add3A_26, %select_n3A_42 : vector<16xf32>
    %mul3A_44 = arith.constant 0.230769232 : f32
    %mul3A_45 = vector.broadcast %mul3A_44 : f32 to vector<16xf32>
    %mul3A_46 = arith.mulf %gather3A_36, %mul3A_45 : vector<16xf32>
    %jit3A_47 = arith.constant 0.000000e+00 : f32
    %broadcast_in_dim3A_48 = vector.broadcast %jit3A_47 : f32 to vector<16xf32>
    %select_n3A_49 = arith.select %ge3A_39, %mul3A_46, %broadcast_in_dim3A_48 : vector<16xi1>, vector<16xf32>
    %sub3A_50 = arith.subf %sub3A_33, %select_n3A_49 : vector<16xf32>
    %broadcast_in_dim3A_51 = arith.constant 35 : i32
    %broadcast_in_dim3A_52 = vector.broadcast %broadcast_in_dim3A_51 : i32 to vector<16xi32>
    %gather3A_53 = tpu.vector_load_idx %arg5[%broadcast_in_dim3A_52] : memref<48xf32, #tpu.memory_space<vmem>>[vector<16xi32>], vector<16xf32>,
    %ge3A_54 = arith.constant 4 : i32
    %ge3A_55 = vector.broadcast %ge3A_54 : i32 to vector<16xi32>
    %ge3A_56 = arith.cmpi sge, %iota3A, %ge3A_55 : vector<16xi32>
    %jit3A_57 = arith.constant 0.000000e+00 : f32
    %broadcast_in_dim3A_58 = vector.broadcast %jit3A_57 : f32 to vector<16xf32>
    %select_n3A_59 = arith.select %ge3A_56, %gather3A_53, %broadcast_in_dim3A_58 : vector<16xi1>, vector<16xf32>
    %add3A_60 = arith.addf %add3A_43, %select_n3A_59 : vector<16xf32>
    %mul3A_61 = arith.constant 0.307692319 : f32
    %mul3A_62 = vector.broadcast %mul3A_61 : f32 to vector<16xf32>
    %mul3A_63 = arith.mulf %gather3A_53, %mul3A_62 : vector<16xf32>
    %jit3A_64 = arith.constant 0.000000e+00 : f32
    %broadcast_in_dim3A_65 = vector.broadcast %jit3A_64 : f32 to vector<16xf32>
    %select_n3A_66 = arith.select %ge3A_56, %mul3A_63, %broadcast_in_dim3A_65 : vector<16xi1>, vector<16xf32>
    %sub3A_67 = arith.subf %sub3A_50, %select_n3A_66 : vector<16xf32>
    %broadcast_in_dim3A_68 = arith.constant 36 : i32
    %broadcast_in_dim3A_69 = vector.broadcast %broadcast_in_dim3A_68 : i32 to vector<16xi32>
    %gather3A_70 = tpu.vector_load_idx %arg5[%broadcast_in_dim3A_69] : memref<48xf32, #tpu.memory_space<vmem>>[vector<16xi32>], vector<16xf32>,
    %ge3A_71 = arith.constant 5 : i32
    %ge3A_72 = vector.broadcast %ge3A_71 : i32 to vector<16xi32>
    %ge3A_73 = arith.cmpi sge, %iota3A, %ge3A_72 : vector<16xi32>
    %jit3A_74 = arith.constant 0.000000e+00 : f32
    %broadcast_in_dim3A_75 = vector.broadcast %jit3A_74 : f32 to vector<16xf32>
    %select_n3A_76 = arith.select %ge3A_73, %gather3A_70, %broadcast_in_dim3A_75 : vector<16xi1>, vector<16xf32>
    %add3A_77 = arith.addf %add3A_60, %select_n3A_76 : vector<16xf32>
    %mul3A_78 = arith.constant 0.384615391 : f32
    %mul3A_79 = vector.broadcast %mul3A_78 : f32 to vector<16xf32>
    %mul3A_80 = arith.mulf %gather3A_70, %mul3A_79 : vector<16xf32>
    %jit3A_81 = arith.constant 0.000000e+00 : f32
    %broadcast_in_dim3A_82 = vector.broadcast %jit3A_81 : f32 to vector<16xf32>
    %select_n3A_83 = arith.select %ge3A_73, %mul3A_80, %broadcast_in_dim3A_82 : vector<16xi1>, vector<16xf32>
    %sub3A_84 = arith.subf %sub3A_67, %select_n3A_83 : vector<16xf32>
    %broadcast_in_dim3A_85 = arith.constant 37 : i32
    %broadcast_in_dim3A_86 = vector.broadcast %broadcast_in_dim3A_85 : i32 to vector<16xi32>
    %gather3A_87 = tpu.vector_load_idx %arg5[%broadcast_in_dim3A_86] : memref<48xf32, #tpu.memory_space<vmem>>[vector<16xi32>], vector<16xf32>,
    %ge3A_88 = arith.constant 6 : i32
    %ge3A_89 = vector.broadcast %ge3A_88 : i32 to vector<16xi32>
    %ge3A_90 = arith.cmpi sge, %iota3A, %ge3A_89 : vector<16xi32>
    %jit3A_91 = arith.constant 0.000000e+00 : f32
    %broadcast_in_dim3A_92 = vector.broadcast %jit3A_91 : f32 to vector<16xf32>
    %select_n3A_93 = arith.select %ge3A_90, %gather3A_87, %broadcast_in_dim3A_92 : vector<16xi1>, vector<16xf32>
    %add3A_94 = arith.addf %add3A_77, %select_n3A_93 : vector<16xf32>
    %mul3A_95 = arith.constant 0.461538464 : f32
    %mul3A_96 = vector.broadcast %mul3A_95 : f32 to vector<16xf32>
    %mul3A_97 = arith.mulf %gather3A_87, %mul3A_96 : vector<16xf32>
    %jit3A_98 = arith.constant 0.000000e+00 : f32
    %broadcast_in_dim3A_99 = vector.broadcast %jit3A_98 : f32 to vector<16xf32>
    %select_n3A_100 = arith.select %ge3A_90, %mul3A_97, %broadcast_in_dim3A_99 : vector<16xi1>, vector<16xf32>
    %sub3A_101 = arith.subf %sub3A_84, %select_n3A_100 : vector<16xf32>
    %broadcast_in_dim3A_102 = arith.constant 38 : i32
    %broadcast_in_dim3A_103 = vector.broadcast %broadcast_in_dim3A_102 : i32 to vector<16xi32>
    %gather3A_104 = tpu.vector_load_idx %arg5[%broadcast_in_dim3A_103] : memref<48xf32, #tpu.memory_space<vmem>>[vector<16xi32>], vector<16xf32>,
    %ge3A_105 = arith.constant 7 : i32
    %ge3A_106 = vector.broadcast %ge3A_105 : i32 to vector<16xi32>
    %ge3A_107 = arith.cmpi sge, %iota3A, %ge3A_106 : vector<16xi32>
    %jit3A_108 = arith.constant 0.000000e+00 : f32
    %broadcast_in_dim3A_109 = vector.broadcast %jit3A_108 : f32 to vector<16xf32>
    %select_n3A_110 = arith.select %ge3A_107, %gather3A_104, %broadcast_in_dim3A_109 : vector<16xi1>, vector<16xf32>
    %add3A_111 = arith.addf %add3A_94, %select_n3A_110 : vector<16xf32>
    %mul3A_112 = arith.constant 0.538461566 : f32
    %mul3A_113 = vector.broadcast %mul3A_112 : f32 to vector<16xf32>
    %mul3A_114 = arith.mulf %gather3A_104, %mul3A_113 : vector<16xf32>
    %jit3A_115 = arith.constant 0.000000e+00 : f32
    %broadcast_in_dim3A_116 = vector.broadcast %jit3A_115 : f32 to vector<16xf32>
    %select_n3A_117 = arith.select %ge3A_107, %mul3A_114, %broadcast_in_dim3A_116 : vector<16xi1>, vector<16xf32>
    %sub3A_118 = arith.subf %sub3A_101, %select_n3A_117 : vector<16xf32>
    %broadcast_in_dim3A_119 = arith.constant 39 : i32
    %broadcast_in_dim3A_120 = vector.broadcast %broadcast_in_dim3A_119 : i32 to vector<16xi32>
    %gather3A_121 = tpu.vector_load_idx %arg5[%broadcast_in_dim3A_120] : memref<48xf32, #tpu.memory_space<vmem>>[vector<16xi32>], vector<16xf32>,
    %ge3A_122 = arith.constant 8 : i32
    %ge3A_123 = vector.broadcast %ge3A_122 : i32 to vector<16xi32>
    %ge3A_124 = arith.cmpi sge, %iota3A, %ge3A_123 : vector<16xi32>
    %jit3A_125 = arith.constant 0.000000e+00 : f32
    %broadcast_in_dim3A_126 = vector.broadcast %jit3A_125 : f32 to vector<16xf32>
    %select_n3A_127 = arith.select %ge3A_124, %gather3A_121, %broadcast_in_dim3A_126 : vector<16xi1>, vector<16xf32>
    %add3A_128 = arith.addf %add3A_111, %select_n3A_127 : vector<16xf32>
    %mul3A_129 = arith.constant 0.615384638 : f32
    %mul3A_130 = vector.broadcast %mul3A_129 : f32 to vector<16xf32>
    %mul3A_131 = arith.mulf %gather3A_121, %mul3A_130 : vector<16xf32>
    %jit3A_132 = arith.constant 0.000000e+00 : f32
    %broadcast_in_dim3A_133 = vector.broadcast %jit3A_132 : f32 to vector<16xf32>
    %select_n3A_134 = arith.select %ge3A_124, %mul3A_131, %broadcast_in_dim3A_133 : vector<16xi1>, vector<16xf32>
    %sub3A_135 = arith.subf %sub3A_118, %select_n3A_134 : vector<16xf32>
    %broadcast_in_dim3A_136 = arith.constant 40 : i32
    %broadcast_in_dim3A_137 = vector.broadcast %broadcast_in_dim3A_136 : i32 to vector<16xi32>
    %gather3A_138 = tpu.vector_load_idx %arg5[%broadcast_in_dim3A_137] : memref<48xf32, #tpu.memory_space<vmem>>[vector<16xi32>], vector<16xf32>,
    %ge3A_139 = arith.constant 9 : i32
    %ge3A_140 = vector.broadcast %ge3A_139 : i32 to vector<16xi32>
    %ge3A_141 = arith.cmpi sge, %iota3A, %ge3A_140 : vector<16xi32>
    %jit3A_142 = arith.constant 0.000000e+00 : f32
    %broadcast_in_dim3A_143 = vector.broadcast %jit3A_142 : f32 to vector<16xf32>
    %select_n3A_144 = arith.select %ge3A_141, %gather3A_138, %broadcast_in_dim3A_143 : vector<16xi1>, vector<16xf32>
    %add3A_145 = arith.addf %add3A_128, %select_n3A_144 : vector<16xf32>
    %mul3A_146 = arith.constant 0.692307711 : f32
    %mul3A_147 = vector.broadcast %mul3A_146 : f32 to vector<16xf32>
    %mul3A_148 = arith.mulf %gather3A_138, %mul3A_147 : vector<16xf32>
    %jit3A_149 = arith.constant 0.000000e+00 : f32
    %broadcast_in_dim3A_150 = vector.broadcast %jit3A_149 : f32 to vector<16xf32>
    %select_n3A_151 = arith.select %ge3A_141, %mul3A_148, %broadcast_in_dim3A_150 : vector<16xi1>, vector<16xf32>
    %sub3A_152 = arith.subf %sub3A_135, %select_n3A_151 : vector<16xf32>
    %broadcast_in_dim3A_153 = arith.constant 41 : i32
    %broadcast_in_dim3A_154 = vector.broadcast %broadcast_in_dim3A_153 : i32 to vector<16xi32>
    %gather3A_155 = tpu.vector_load_idx %arg5[%broadcast_in_dim3A_154] : memref<48xf32, #tpu.memory_space<vmem>>[vector<16xi32>], vector<16xf32>,
    %ge3A_156 = arith.constant 10 : i32
    %ge3A_157 = vector.broadcast %ge3A_156 : i32 to vector<16xi32>
    %ge3A_158 = arith.cmpi sge, %iota3A, %ge3A_157 : vector<16xi32>
    %jit3A_159 = arith.constant 0.000000e+00 : f32
    %broadcast_in_dim3A_160 = vector.broadcast %jit3A_159 : f32 to vector<16xf32>
    %select_n3A_161 = arith.select %ge3A_158, %gather3A_155, %broadcast_in_dim3A_160 : vector<16xi1>, vector<16xf32>
    %add3A_162 = arith.addf %add3A_145, %select_n3A_161 : vector<16xf32>
    %mul3A_163 = arith.constant 0.769230782 : f32
    %mul3A_164 = vector.broadcast %mul3A_163 : f32 to vector<16xf32>
    %mul3A_165 = arith.mulf %gather3A_155, %mul3A_164 : vector<16xf32>
    %jit3A_166 = arith.constant 0.000000e+00 : f32
    %broadcast_in_dim3A_167 = vector.broadcast %jit3A_166 : f32 to vector<16xf32>
    %select_n3A_168 = arith.select %ge3A_158, %mul3A_165, %broadcast_in_dim3A_167 : vector<16xi1>, vector<16xf32>
    %sub3A_169 = arith.subf %sub3A_152, %select_n3A_168 : vector<16xf32>
    %broadcast_in_dim3A_170 = arith.constant 42 : i32
    %broadcast_in_dim3A_171 = vector.broadcast %broadcast_in_dim3A_170 : i32 to vector<16xi32>
    %gather3A_172 = tpu.vector_load_idx %arg5[%broadcast_in_dim3A_171] : memref<48xf32, #tpu.memory_space<vmem>>[vector<16xi32>], vector<16xf32>,
    %ge3A_173 = arith.constant 11 : i32
    %ge3A_174 = vector.broadcast %ge3A_173 : i32 to vector<16xi32>
    %ge3A_175 = arith.cmpi sge, %iota3A, %ge3A_174 : vector<16xi32>
    %jit3A_176 = arith.constant 0.000000e+00 : f32
    %broadcast_in_dim3A_177 = vector.broadcast %jit3A_176 : f32 to vector<16xf32>
    %select_n3A_178 = arith.select %ge3A_175, %gather3A_172, %broadcast_in_dim3A_177 : vector<16xi1>, vector<16xf32>
    %add3A_179 = arith.addf %add3A_162, %select_n3A_178 : vector<16xf32>
    %mul3A_180 = arith.constant 0.846153855 : f32
    %mul3A_181 = vector.broadcast %mul3A_180 : f32 to vector<16xf32>
    %mul3A_182 = arith.mulf %gather3A_172, %mul3A_181 : vector<16xf32>
    %jit3A_183 = arith.constant 0.000000e+00 : f32
    %broadcast_in_dim3A_184 = vector.broadcast %jit3A_183 : f32 to vector<16xf32>
    %select_n3A_185 = arith.select %ge3A_175, %mul3A_182, %broadcast_in_dim3A_184 : vector<16xi1>, vector<16xf32>
    %sub3A_186 = arith.subf %sub3A_169, %select_n3A_185 : vector<16xf32>
    %broadcast_in_dim3A_187 = arith.constant 43 : i32
    %broadcast_in_dim3A_188 = vector.broadcast %broadcast_in_dim3A_187 : i32 to vector<16xi32>
    %gather3A_189 = tpu.vector_load_idx %arg5[%broadcast_in_dim3A_188] : memref<48xf32, #tpu.memory_space<vmem>>[vector<16xi32>], vector<16xf32>,
    %ge3A_190 = arith.constant 12 : i32
    %ge3A_191 = vector.broadcast %ge3A_190 : i32 to vector<16xi32>
    %ge3A_192 = arith.cmpi sge, %iota3A, %ge3A_191 : vector<16xi32>
    %jit3A_193 = arith.constant 0.000000e+00 : f32
    %broadcast_in_dim3A_194 = vector.broadcast %jit3A_193 : f32 to vector<16xf32>
    %select_n3A_195 = arith.select %ge3A_192, %gather3A_189, %broadcast_in_dim3A_194 : vector<16xi1>, vector<16xf32>
    %add3A_196 = arith.addf %add3A_179, %select_n3A_195 : vector<16xf32>
    %mul3A_197 = arith.constant 0.923076927 : f32
    %mul3A_198 = vector.broadcast %mul3A_197 : f32 to vector<16xf32>
    %mul3A_199 = arith.mulf %gather3A_189, %mul3A_198 : vector<16xf32>
    %jit3A_200 = arith.constant 0.000000e+00 : f32
    %broadcast_in_dim3A_201 = vector.broadcast %jit3A_200 : f32 to vector<16xf32>
    %select_n3A_202 = arith.select %ge3A_192, %mul3A_199, %broadcast_in_dim3A_201 : vector<16xi1>, vector<16xf32>
    %sub3A_203 = arith.subf %sub3A_186, %select_n3A_202 : vector<16xf32>
    %mul3A_204 = arith.constant 0.0769230798 : f32
    %mul3A_205 = vector.broadcast %mul3A_204 : f32 to vector<16xf32>
    %mul3A_206 = arith.mulf %add3A_196, %mul3A_205 : vector<16xf32>
    %swap3A = arith.constant 0 : index
    %swap3A_207 = tpu.vector_load %arg6[%swap3A] {strides = array<i32>} : memref<16xf32, #tpu.memory_space<vmem>>, vector<16xf32>,
    tpu.vector_store %arg6[%swap3A], %mul3A_206 {strides = array<i32>} : memref<16xf32, #tpu.memory_space<vmem>>, vector<16xf32>,
    %swap3A_208 = arith.constant 0 : index
    %swap3A_209 = tpu.vector_load %arg7[%swap3A_208] {strides = array<i32>} : memref<16xf32, #tpu.memory_space<vmem>>, vector<16xf32>,
    tpu.vector_store %arg7[%swap3A_208], %sub3A_203 {strides = array<i32>} : memref<16xf32, #tpu.memory_space<vmem>>, vector<16xf32>,
    %dma_start3A = tpu.memref_slice %arg2[%mul3A_2] : memref<1048576xf32, #tpu.memory_space<hbm>> -> memref<16384xf32, #tpu.memory_space<hbm>>
    %dma_start3A_210 = tpu.memref_slice %arg2[%mul3A_2] : memref<1048576xf32, #tpu.memory_space<hbm>> -> memref<16384xf32, #tpu.memory_space<hbm>>
    tpu.enqueue_dma source(%dma_start3A_210 : memref<16384xf32, #tpu.memory_space<hbm>>) target(%arg8 : memref<16384xf32, #tpu.memory_space<vmem>>) target_semaphore(%arg12 : memref<!tpu.dma_semaphore, #tpu.memory_space<semaphore_mem>>)
    %add3A_211 = arith.constant 16384 : i32
    %add3A_212 = arith.addi %mul3A_2, %add3A_211 : i32
    %dma_start3A_213 = tpu.memref_slice %arg2[%add3A_212] : memref<1048576xf32, #tpu.memory_space<hbm>> -> memref<16384xf32, #tpu.memory_space<hbm>>
    %dma_start3A_214 = tpu.memref_slice %arg2[%add3A_212] : memref<1048576xf32, #tpu.memory_space<hbm>> -> memref<16384xf32, #tpu.memory_space<hbm>>
    tpu.enqueue_dma source(%dma_start3A_214 : memref<16384xf32, #tpu.memory_space<hbm>>) target(%arg9 : memref<16384xf32, #tpu.memory_space<vmem>>) target_semaphore(%arg13 : memref<!tpu.dma_semaphore, #tpu.memory_space<semaphore_mem>>)
    %dma_wait3A = tpu.memref_slice %arg2[%mul3A_2] : memref<1048576xf32, #tpu.memory_space<hbm>> -> memref<16384xf32, #tpu.memory_space<hbm>>
    %dma_wait3A_215 = tpu.memref_slice %arg2[%mul3A_2] : memref<1048576xf32, #tpu.memory_space<hbm>> -> memref<16384xf32, #tpu.memory_space<hbm>>
    tpu.wait_dma2 semaphore(%arg12 : memref<!tpu.dma_semaphore, #tpu.memory_space<semaphore_mem>>) src(%dma_wait3A_215 : memref<16384xf32, #tpu.memory_space<hbm>>) dst(%arg8 : memref<16384xf32, #tpu.memory_space<vmem>>)
    %parallel_loop3A = arith.constant 0 : i32
    %parallel_loop3A_216 = arith.constant 16384 : i32
    %parallel_loop3A_217 = arith.constant 16 : i32
    scf.for %parallel_loop3A_235 = %parallel_loop3A to %parallel_loop3A_216 step %parallel_loop3A_217  : i32 {
      %parallel_loop3A_236 = arith.index_cast %parallel_loop3A_235 : i32 to index
      %parallel_loop3A_237 = tpu.vector_load %arg8[%parallel_loop3A_236] {strides = array<i32>} : memref<16384xf32, #tpu.memory_space<vmem>>, vector<16xf32>,
      %parallel_loop3A_238 = arith.constant 12.999999 : f32
      %parallel_loop3A_239 = vector.broadcast %parallel_loop3A_238 : f32 to vector<16xf32>
      %parallel_loop3A_240 = arith.mulf %parallel_loop3A_237, %parallel_loop3A_239 : vector<16xf32>
      %parallel_loop3A_241 = arith.fptosi %parallel_loop3A_240 : vector<16xf32> to vector<16xi32>
      %parallel_loop3A_242 = tpu.vector_load_idx %arg6[%parallel_loop3A_241] : memref<16xf32, #tpu.memory_space<vmem>>[vector<16xi32>], vector<16xf32>,
      %parallel_loop3A_243 = tpu.vector_load_idx %arg7[%parallel_loop3A_241] : memref<16xf32, #tpu.memory_space<vmem>>[vector<16xi32>], vector<16xf32>,
      %parallel_loop3A_244 = arith.mulf %parallel_loop3A_240, %parallel_loop3A_242 : vector<16xf32>
      %parallel_loop3A_245 = arith.addf %parallel_loop3A_244, %parallel_loop3A_243 : vector<16xf32>
      %parallel_loop3A_246 = arith.index_cast %parallel_loop3A_235 : i32 to index
      %parallel_loop3A_247 = tpu.vector_load %arg10[%parallel_loop3A_246] {strides = array<i32>} : memref<16384xf32, #tpu.memory_space<vmem>>, vector<16xf32>,
      tpu.vector_store %arg10[%parallel_loop3A_246], %parallel_loop3A_245 {strides = array<i32>} : memref<16384xf32, #tpu.memory_space<vmem>>, vector<16xf32>,
    } {sc.loop_unroll_factor = 8 : i64, sc.parallel_access}
    %add3A_218 = arith.constant 0 : i32
    %add3A_219 = arith.addi %mul3A_2, %add3A_218 : i32
    %dma_start3A_220 = tpu.memref_slice %arg4[%add3A_219] : memref<1048576xf32, #tpu.memory_space<hbm>> -> memref<16384xf32, #tpu.memory_space<hbm>>
    %dma_start3A_221 = tpu.memref_slice %arg4[%add3A_219] : memref<1048576xf32, #tpu.memory_space<hbm>> -> memref<16384xf32, #tpu.memory_space<hbm>>
    tpu.enqueue_dma source(%arg10 : memref<16384xf32, #tpu.memory_space<vmem>>) target(%dma_start3A_221 : memref<16384xf32, #tpu.memory_space<hbm>>) target_semaphore(%arg14 : memref<!tpu.dma_semaphore, #tpu.memory_space<semaphore_mem>>)
    %dma_wait3A_222 = tpu.memref_slice %arg2[%add3A_212] : memref<1048576xf32, #tpu.memory_space<hbm>> -> memref<16384xf32, #tpu.memory_space<hbm>>
    %dma_wait3A_223 = tpu.memref_slice %arg2[%add3A_212] : memref<1048576xf32, #tpu.memory_space<hbm>> -> memref<16384xf32, #tpu.memory_space<hbm>>
    tpu.wait_dma2 semaphore(%arg13 : memref<!tpu.dma_semaphore, #tpu.memory_space<semaphore_mem>>) src(%dma_wait3A_223 : memref<16384xf32, #tpu.memory_space<hbm>>) dst(%arg9 : memref<16384xf32, #tpu.memory_space<vmem>>)
    %parallel_loop3A_224 = arith.constant 0 : i32
    %parallel_loop3A_225 = arith.constant 16384 : i32
    %parallel_loop3A_226 = arith.constant 16 : i32
    scf.for %parallel_loop3A_235 = %parallel_loop3A_224 to %parallel_loop3A_225 step %parallel_loop3A_226  : i32 {
      %parallel_loop3A_236 = arith.index_cast %parallel_loop3A_235 : i32 to index
      %parallel_loop3A_237 = tpu.vector_load %arg9[%parallel_loop3A_236] {strides = array<i32>} : memref<16384xf32, #tpu.memory_space<vmem>>, vector<16xf32>,
      %parallel_loop3A_238 = arith.constant 12.999999 : f32
      %parallel_loop3A_239 = vector.broadcast %parallel_loop3A_238 : f32 to vector<16xf32>
      %parallel_loop3A_240 = arith.mulf %parallel_loop3A_237, %parallel_loop3A_239 : vector<16xf32>
      %parallel_loop3A_241 = arith.fptosi %parallel_loop3A_240 : vector<16xf32> to vector<16xi32>
      %parallel_loop3A_242 = tpu.vector_load_idx %arg6[%parallel_loop3A_241] : memref<16xf32, #tpu.memory_space<vmem>>[vector<16xi32>], vector<16xf32>,
      %parallel_loop3A_243 = tpu.vector_load_idx %arg7[%parallel_loop3A_241] : memref<16xf32, #tpu.memory_space<vmem>>[vector<16xi32>], vector<16xf32>,
      %parallel_loop3A_244 = arith.mulf %parallel_loop3A_240, %parallel_loop3A_242 : vector<16xf32>
      %parallel_loop3A_245 = arith.addf %parallel_loop3A_244, %parallel_loop3A_243 : vector<16xf32>
      %parallel_loop3A_246 = arith.index_cast %parallel_loop3A_235 : i32 to index
      %parallel_loop3A_247 = tpu.vector_load %arg11[%parallel_loop3A_246] {strides = array<i32>} : memref<16384xf32, #tpu.memory_space<vmem>>, vector<16xf32>,
      tpu.vector_store %arg11[%parallel_loop3A_246], %parallel_loop3A_245 {strides = array<i32>} : memref<16384xf32, #tpu.memory_space<vmem>>, vector<16xf32>,
    } {sc.loop_unroll_factor = 8 : i64, sc.parallel_access}
    %add3A_227 = arith.constant 16384 : i32
    %add3A_228 = arith.addi %mul3A_2, %add3A_227 : i32
    %dma_start3A_229 = tpu.memref_slice %arg4[%add3A_228] : memref<1048576xf32, #tpu.memory_space<hbm>> -> memref<16384xf32, #tpu.memory_space<hbm>>
    %dma_start3A_230 = tpu.memref_slice %arg4[%add3A_228] : memref<1048576xf32, #tpu.memory_space<hbm>> -> memref<16384xf32, #tpu.memory_space<hbm>>
    tpu.enqueue_dma source(%arg11 : memref<16384xf32, #tpu.memory_space<vmem>>) target(%dma_start3A_230 : memref<16384xf32, #tpu.memory_space<hbm>>) target_semaphore(%arg15 : memref<!tpu.dma_semaphore, #tpu.memory_space<semaphore_mem>>)
    %dma_wait3A_231 = tpu.memref_slice %arg4[%add3A_219] : memref<1048576xf32, #tpu.memory_space<hbm>> -> memref<16384xf32, #tpu.memory_space<hbm>>
    %dma_wait3A_232 = tpu.memref_slice %arg4[%add3A_219] : memref<1048576xf32, #tpu.memory_space<hbm>> -> memref<16384xf32, #tpu.memory_space<hbm>>
    tpu.wait_dma2 semaphore(%arg14 : memref<!tpu.dma_semaphore, #tpu.memory_space<semaphore_mem>>) src(%arg10 : memref<16384xf32, #tpu.memory_space<vmem>>) dst(%dma_wait3A_232 : memref<16384xf32, #tpu.memory_space<hbm>>)
    %dma_wait3A_233 = tpu.memref_slice %arg4[%add3A_228] : memref<1048576xf32, #tpu.memory_space<hbm>> -> memref<16384xf32, #tpu.memory_space<hbm>>
    %dma_wait3A_234 = tpu.memref_slice %arg4[%add3A_228] : memref<1048576xf32, #tpu.memory_space<hbm>> -> memref<16384xf32, #tpu.memory_space<hbm>>
    tpu.wait_dma2 semaphore(%arg15 : memref<!tpu.dma_semaphore, #tpu.memory_space<semaphore_mem>>) src(%arg11 : memref<16384xf32, #tpu.memory_space<vmem>>) dst(%dma_wait3A_234 : memref<16384xf32, #tpu.memory_space<hbm>>)
    return
  }
}

</mosaic_0001>

<sc_bundles>
// kernel: kernel.3.cloned.1.call-start
scs
__scs_entry_jumppad:
0x0: {  	(pc) =	sbr.rel $0x88, $3  }
0x1: {  	(tag) =	ssettag $0x0;
	lr =	simm.s32 $0x1  }
0x2: {  	[smem:$0x3F9D] =	sst lr;
	_ =	strace $0xD0000000  }
0x3: {  	_ = 	snop  }
0x4: {  	_ = 	snop  }
0x5: {  	_ = 	snop  }
0x6: {  	_ = 	snop  }
0x7: {  	_ = 	snop  }
__scs_overlays_trampoline_lowered:
0x8: {  	[smem:$0x3FAC] =	sst s0  }
0x9: {  	[smem:$0x3FAD] =	sst s1  }
0xa: {  	[smem:$0x3FAE] =	sst s2  }
0xb: {  	[smem:$0x3FAF] =	sst s3  }
0xc: {  	[smem:$0x3FB0] =	sst s4  }
0xd: {  	[smem:$0x3FB1] =	sst s5  }
0xe: {  	[smem:$0x3FB2] =	sst s6  }
0xf: {  	[smem:$0x3FB3] =	sst s7  }
0x10: {  	[smem:$0x3FB4] =	sst s8  }
0x11: {  	[smem:$0x3FB5] =	sst s9;
	s0 =	simm.s32 @!p0 $0x0  }
0x12: {  	s1 =	sld [smem:$0x3F9B];
	s0 =	simm.s32 @p0 $0x1  }
0x13: {  	[smem:$0x3FB6] =	sst s0;
	s0 =	simm.s32 @!p1 $0x0  }
0x14: {  	s2 =	sld [smem:$0x3F9A];
	s0 =	simm.s32 @p1 $0x1  }
0x15: {  	[smem:$0x3FB7] =	sst s0;
	s0 =	simm.s32 @!p2 $0x0  }
0x16: {  	s3 =	sld [smem:$0x3FDB];
	s0 =	simm.s32 @p2 $0x1  }
0x17: {  	s4 =	simm.s32 $0x1BF5;
	[smem:$0x3FB9] =	sst s0  }
0x18: {  	s0 =	sld [smem:$0x3F9C];
	_ =	swait.ge [sflag:s4], $0x0  }
0x19: {  	s7 =	sld [smem:$0x3F9D]  }
0x1a: {  	s8 =	sadd.s32 $0xFFFFE003, lr  }
0x1b: {  	s9 =	sadd.s32 $0xFFFFFEF7, lr;
	s5 =	simm.s32 $0xFFFFFFFF;
	p2 =	slt.u32 s8, $0xFFFFF086  }
0x1c: {  	p1 =	slt.u32 s9, $0xF7A;
	s5 =	simm.s32 @!p2 $0x0  }
0x1d: {  	s5 =	simm.s32 @p1 $0x1;
	p0 =	seq.s32 s7, s2  }
0x1e: {  	s7 =	smul.u32 @!p0 $0xF7A, s2;
	p2 =	seq.s32 @!p0 s5, $0x0  }
0x1f: {  	s9 =	smul.u32 $0xF7A, s1;
	s8 =	simm.s32 @!p0 $0x1BF5;
	p2 =	por !p2, p0  }
0x20: {  	[sflag:s8] =	ssyncset.s32 @!p0 $0xFFFFF086;
	s6 =	sadd.s32 @!p0 s3, s7;
	s7 =	simm.s32 @!p0 $0x108  }
0x21: {  	s3 =	sadd.s32 s3, s9;
	s6 =	sadd.s32 @!p0 $0x88, s6;
	s7 =	simm.s32 @p2 $0x1082  }
0x22: {  	[simem:s7], [sflag:s8] =	dma.local @!p0 [hbm:s6], $0xF7A  }
0x23: {  	s9 =	sor.u32 $0xD0000000, s2;
	s6 =	simm.s32 $0x108;
	_ =	swait.ge @!p0 [sflag:s8], $0x0  }
0x24: {  	s3 =	sadd.s32 $0x88, s3;
	s6 =	simm.s32 @!p1 $0x1082;
	[sflag:s4] =	ssyncset.s32 $0xFFFFF086  }
0x25: {  	[simem:s6], [sflag:s4] =	dma.local [hbm:s3], $0xF7A  }
0x26: {  	[smem:$0x3F9D] =	sst s1;
	(tag) =	ssettag s2;
	_ =	strace s9  }
0x27: {  	s1 =	sld [smem:$0x3FAD]  }
0x28: {  	s2 =	sld [smem:$0x3FAE]  }
0x29: {  	s4 =	sld [smem:$0x3FB0]  }
0x2a: {  	p0 =	seq.s32 s5, $0x0;
	s5 =	sld [smem:$0x3FB1]  }
0x2b: {  	s6 =	sld [smem:$0x3FB2]  }
0x2c: {  	s7 =	sld [smem:$0x3FB3]  }
0x2d: {  	s3 =	simm.s32 $0x108;
	s8 =	sld [smem:$0x3FB4]  }
0x2e: {  	s3 =	simm.s32 @!p0 $0x1082;
	s9 =	sld [smem:$0x3FB5]  }
0x2f: {  	lr =	sadd.s32 s0, s3;
	s0 =	sld [smem:$0x3FAC]  }
0x30: {  	s3 =	sld [smem:$0x3FAF]  }
0x31: {  	[smem:$0x3FB8] =	sst s10  }
0x32: {  	s10 =	sld [smem:$0x3FB6];
	_ =	sdelay $0x3  }
0x33: {  	p0 =	seq.s32 s10, $0x1;
	s10 =	sld [smem:$0x3FB8];
	_ =	sdelay $0x3  }
0x34: {  	[smem:$0x3FB8] =	sst s10  }
0x35: {  	s10 =	sld [smem:$0x3FB7];
	_ =	sdelay $0x3  }
0x36: {  	p1 =	seq.s32 s10, $0x1;
	s10 =	sld [smem:$0x3FB8];
	_ =	sdelay $0x3  }
0x37: {  	[smem:$0x3FB8] =	sst s10  }
0x38: {  	s10 =	sld [smem:$0x3FB9]  }
0x39: {  	_ = 	snop;
	(pc) =	sbr.ind lr, $3  }
0x3a: {  	_ = 	snop  }
0x3b: {  	_ = 	snop  }
0x3c: {  	p2 =	seq.s32 s10, $0x1;
	s10 =	sld [smem:$0x3FB8]  }
0x3d: {  	_ =	shalt  }
0x3e: {  	_ =	shalt  }
0x3f: {  	_ =	shalt  }
0x40: {  	_ =	shalt  }
0x41: {  	_ =	shalt  }
0x42: {  	_ =	shalt  }
0x43: {  	_ =	shalt  }
0x44: {  	_ =	shalt  }
0x45: {  	_ =	shalt  }
0x46: {  	_ =	shalt  }
0x47: {  	_ =	shalt  }
0x48: {  	_ =	shalt  }
0x49: {  	_ =	shalt  }
0x4a: {  	_ =	shalt  }
0x4b: {  	_ =	shalt  }
0x4c: {  	_ =	shalt  }
0x4d: {  	_ =	shalt  }
0x4e: {  	_ =	shalt  }
0x4f: {  	_ =	shalt  }
0x50: {  	_ =	shalt  }
0x51: {  	_ =	shalt  }
0x52: {  	_ =	shalt  }
0x53: {  	_ =	shalt  }
0x54: {  	_ =	shalt  }
0x55: {  	_ =	shalt  }
0x56: {  	_ =	shalt  }
0x57: {  	_ =	shalt  }
0x58: {  	_ =	shalt  }
0x59: {  	_ =	shalt  }
0x5a: {  	_ =	shalt  }
0x5b: {  	_ =	shalt  }
0x5c: {  	_ =	shalt  }
0x5d: {  	_ =	shalt  }
0x5e: {  	_ =	shalt  }
0x5f: {  	_ =	shalt  }
0x60: {  	_ =	shalt  }
0x61: {  	_ =	shalt  }
0x62: {  	_ =	shalt  }
0x63: {  	_ =	shalt  }
0x64: {  	_ =	shalt  }
0x65: {  	_ =	shalt  }
0x66: {  	_ =	shalt  }
0x67: {  	_ =	shalt  }
0x68: {  	_ =	shalt  }
0x69: {  	_ =	shalt  }
0x6a: {  	_ =	shalt  }
0x6b: {  	_ =	shalt  }
0x6c: {  	_ =	shalt  }
0x6d: {  	_ =	shalt  }
0x6e: {  	_ =	shalt  }
0x6f: {  	_ =	shalt  }
0x70: {  	_ =	shalt  }
0x71: {  	_ =	shalt  }
0x72: {  	_ =	shalt  }
0x73: {  	_ =	shalt  }
0x74: {  	_ =	shalt  }
0x75: {  	_ =	shalt  }
0x76: {  	_ =	shalt  }
0x77: {  	_ =	shalt  }
0x78: {  	_ =	shalt  }
0x79: {  	_ =	shalt  }
0x7a: {  	_ =	shalt  }
0x7b: {  	_ =	shalt  }
0x7c: {  	_ =	shalt  }
0x7d: {  	_ =	shalt  }
0x7e: {  	_ =	shalt  }
0x7f: {  	_ =	shalt  }
0x80: {  	_ =	shalt  }
0x81: {  	_ =	shalt  }
0x82: {  	_ =	shalt  }
0x83: {  	_ =	shalt  }
0x84: {  	_ =	shalt  }
0x85: {  	_ =	shalt  }
0x86: {  	_ =	shalt  }
0x87: {  	_ =	shalt  }
.Lfunc_end0:
.L_simem_size_0:
called_computation_lowered:
.L_overlay_start_0:
0x88: {  	s2 =	sld [smem:$0x3FD9]  }
0x89: {  	s3 =	sld [smem:$0x3FFE];
	_ =	sdelay $0x1  }
0x8a: {  	s1 =	srdreg.scid  }
0x8b: {  	s0 =	sand.u32 $0x1, s1  }
0x8c: {  	s17 =	sshll.u32 s0, $0xA;
	s2 =	sadd.s32 s3, s2  }
0x8d: {  	s2 =	sadd.s32 s2, s17  }
0x8e: {  	[smem:$0x3FC4] =	sst s2  }
0x8f: {  	_ = 	snop  }
0x90: {  	s2 =	sld [smem:$0x3FC9]  }
0x91: {  	s18 =	sld [smem:$0x3FD0];
	(tm) =	ssettm $0x1  }
0x92: {  	s4 =	sld [smem:$0x3FFB];
	_ =	sdelay $0x3  }
0x93: {  	_ =	strace s4  }
0x94: {  	s4 =	sld [smem:$0x3FFC];
	_ =	sdelay $0x3  }
0x95: {  	_ =	strace s4  }
0x96: {  	s4 =	sld [smem:$0x3FFD];
	_ =	sdelay $0x3  }
0x97: {  	_ =	strace s4  }
0x98: {  	_ =	strace $0x8FFFFFFF  }
0x99: {  	s19 =	sld [smem:$0x3FDB];
	_ =	sdelay $0x1  }
0x9a: {  	s5 =	simm.s32 $_scs_section_size  }
0x9b: {  	s6 =	simm.s32 $_size__tile_overlayer_lowered;
	s7 =	simm.s32 $_tile_overlayer_lowered  }
0x9c: {  	s22 =	simm.s32 $0x1BFF;
	s21 =	sshll.u32 s7, $0x1;
	s4 =	sadd.s32 s5, s19  }
0x9d: {  	s8 =	simm.s32 $0x0;
	s20 =	sshll.u32 s6, $0x1;
	s6 =	sadd.s32 s21, s4  }
0x9e: {  	[timem:s8], [sflag:s22] =	dma.local [hbm:s6], s20  }
0x9f: {  	_ =	swait.ge [sflag:s22], s20  }
0xa0: {  	s5 =	ssub.s32 $0x0, s20;
	[sflag:s22] =	ssyncset.done $0x0  }
0xa1: {  	[sflag:s22] =	ssyncadd.s32 s5;
	_ =	sdelay $0x1  }
0xa2: {  	s23 =	simm.s32 $0x1B8B  }
0xa3: {  	_ =	swait.ge [sflag:s23], $0x1  }
0xa4: {  	[sflag:s23] =	ssyncset.done $0x0  }
0xa5: {  	s25 =	simm.s32 $0x1B8E;
	s24 =	sld [smem:$0x3FFE];
	[sflag:s23] =	ssyncadd.s32 $0xFFFFFFFF  }
0xa6: {  	s26 =	simm.s32 $execute0_lowered;
	[smem:$0x3FD2] =	sst s25  }
0xa7: {  	s6 =	sshll.u32 s26, $0x1;
	_ =	strace $0x80000046;
	[dreg:$0x1] =	wrdreg $0xFFFFFFFF  }
0xa8: {  	s28 =	simm.s32 $_size_execute0_lowered;
	s4 =	sadd.s32 s4, s6;
	[dreg:$0x0] =	wrdreg $0x0  }
0xa9: {  	s6 =	sshll.u32 s28, $0x1;
	[dreg:$0x2] =	wrdreg s4  }
0xaa: {  	[dreg:$0x3] =	wrdreg s6  }
0xab: {  	[dreg:$0x4] =	wrdreg $0xC0  }
0xac: {  	_ =	task [dreg:s8], $0x5FFFF  }
0xad: {  	[dreg:$0x1] =	wrdreg $0xFFFFFFFF  }
0xae: {  	[dreg:$0x0] =	wrdreg $0x60  }
0xaf: {  	[dreg:$0x2] =	wrdreg s2  }
0xb0: {  	[dreg:$0x3] =	wrdreg s24  }
0xb1: {  	[dreg:$0x4] =	wrdreg s18  }
0xb2: {  	[dreg:$0x5] =	wrdreg $0x9  }
0xb3: {  	_ =	task.clear_ibuf [dreg:s8], $0x6FFFF;
	_ =	strace $0x90000046  }
0xb4: {  	s29 =	simm.s32 $0x9;
	_ =	strace $0x80000048  }
0xb5: {  	_ =	swait.ge [sflag:s29], $0x1  }
0xb6: {  	[sflag:s29] =	ssyncadd.s32 $0xFFFFFFFF  }
0xb7: {  	_ =	strace $0x90000048  }
0xb8: {  	_ =	sfence  }
0xb9: {  	s30 =	sld [smem:$0x0];
	_ =	sdelay $0x2  }
0xba: {  	s31 =	sshll.u32 s1, $0xD;
	s1 =	sshrl.u32 s1, $0x2  }
0xbb: {  	s3 =	sand.u32 $0x4000, s31;
	s1 =	sadd.s32 s1, s30  }
0xbc: {  	s0 =	sor.u32 s3, s0;
	s1 =	sshll.u32 s1, $0x11  }
0xbd: {  	s0 =	sor.u32 s1, s0  }
0xbe: {  	s0 =	sadd.s32 $0x8F2B, s0  }
0xbf: {  	[sflag:s0] =	ssyncadd.remote.s32 $0x1  }
0xc0: {  	_ =	sfence.sel $0xFFFF  }
0xc1: {  	[dreg:$0x0] =	wrdreg $0xFFFFFFFF;
	(pc) =	sbr.abs _section_cstart, $3  }
0xc2: {  	[dreg:$0x1] =	wrdreg $0xFFFFFFFF  }
0xc3: {  	_ =	task.clear_ibuf [dreg:s8], $0x2FFFF;
	_ =	strace $0x9FFFFFFF  }
0xc4: {  	(tm) =	ssettm $0x7FFFFFFF  }
0xc5: {  	_ =	shalt  }
tec
execute0_lowered:
.L_overlay_start_1:
0x0: {  	(tag) =	ssettag $0x1  }
0x1: {  	s5 =	rddreg [dreg:$0x0]  }
0x2: {  	s3 =	rddreg [dreg:$0x1]  }
0x3: {  	s7 =	rddreg [dreg:$0x2]  }
0x4: {  	s0 =	rddreg [dreg:$0x3];
	s4 =	srdreg.scid  }
0x5: {  	s2 =	simm.s32 $0x0;
	s1 =	stileid.u32;
	s10 =	simm.s32 $0x50  }
0x6: {  	s11 =	simm.s32 $0x4050;
	s12 =	simm.s32 $0x1;
	s13 =	simm.s32 $0x30  }
0x7: {  	v0 =	vimm.s32 $0x20;
	v1 =	vlaneseq.u32;
	v2 =	vimm.s32 $0x21;
	s14 =	simm.s32 $0x40;
	s15 =	simm.s32 $0x8050;
	s16 =	simm.s32 $0x2  }
0x8: {  	vm0 =	vmmov $0x3;
	v3 =	vimm.s32 $0x22;
	vm1 =	vmmov $0x7;
	s17 =	simm.s32 $0xC050;
	s18 =	simm.s32 $0x3;
	s19 =	simm.s32 $0x4  }
0x9: {  	v4 =	vimm.s32 $0x23;
	vm2 =	vmmov $0xf;
	v5 =	vimm.s32 $0x24;
	s20 =	simm.s32 $0x0;
	s4 =	sand.u32 $0x1, s4;
	[smem:$0x7FF] =	sst s2  }
0xa: {  	vm3 =	vmmov $0x1f;
	v6 =	vimm.s32 $0x25;
	vm4 =	vmmov $0x3f;
	s6 =	sshll.u32 s1, $0xD;
	s8 =	sshll.u32 s4, $0xC;
	s4 =	ssub.s32 $0x2, s4  }
0xb: {  	v7 =	vimm.s32 $0x26;
	vm5 =	vmmov $0x7f;
	v8 =	vimm.s32 $0x27;
	s3 =	sadd.s32 $0x400, s3;
	s6 =	sor.u32 s8, s6;
	s31 =	sshrl.u32 s4, $0x1  }
0xc: {  	vm6 =	vmmov $0xff;
	v9 =	vimm.s32 $0x28;
	vm7 =	vmmov $0x1ff;
	_ =	strace $0x80000047;
	s9 =	sor.u32 $0x800, s6;
	s8 =	ssub.s32 s4, s31  }
0xd: {  	v10 =	vimm.s32 $0x29;
	vm8 =	vmmov $0x3ff;
	v11 =	vimm.s32 $0x2A;
	s4 =	sadd.s32 s5, s6;
	s6 =	sadd.s32 s7, s6;
	s5 =	sadd.s32 s5, s9  }
0xe: {  	vm9 =	vmmov $0x7ff;
	v12 =	vimm.s32 $0x2B;
	vm10 =	vmmov $0xfff;
	s7 =	sadd.s32 s7, s9;
	s8 =	smax.u32 s8, $0x1;
	s9 =	simm.s32 $0x5  }
.LBB2_1:
0xf: {  	[tilespmem:s2], [sflag:$0x5] =	stream.linear.gather [hbm4b:s3+s2], $0x30, $0x38;
	[tilespmem:$0x10050] =	vst v63  }
0x10: {  	_ =	swait.ge [sflag:s9], $0x30  }
0x11: {  	[sflag:s9] =	ssyncset.done $0x0  }
0x12: {  	[sflag:s9] =	ssyncadd.s32 $0xFFFFFFD0  }
0x13: {  	v13 =	vld.idx.msk [tilespmem:v0+s2+$0x0], $0xffff  }
0x14: {  	v14 =	vld [tilespmem:$0x0]  }
0x15: {  	v15 =	vld.idx.msk [tilespmem:v2+s2+$0x0], $0xffff  }
0x16: {  	v16 =	vld [tilespmem:$0x10]  }
0x17: {  	vm11 =	veq.s32 v1, $0x0;
	v17 =	vld.idx.msk [tilespmem:v3+s2+$0x0], $0xffff  }
0x18: {  	v18 =	vsel vm11, $0x0, v13  }
0x19: {  	v13 =	vmul.f32 $7.692307980e-02, v13;
	v14 =	vadd.f32 v18, v14;
	v18 =	vld.idx.msk [tilespmem:v4+s2+$0x0], $0xffff  }
0x1a: {  	v19 =	vsel vm0, $0x0, v15  }
0x1b: {  	v15 =	vmul.f32 $1.538461600e-01, v15;
	v13 =	vsel vm11, $0x0, v13;
	v14 =	vadd.f32 v19, v14;
	v19 =	vld.idx.msk [tilespmem:v5+s2+$0x0], $0xffff  }
0x1c: {  	v13 =	vsub.f32 v16, v13;
	v16 =	vsel vm1, $0x0, v17  }
0x1d: {  	v15 =	vsel vm0, $0x0, v15;
	v14 =	vadd.f32 v16, v14;
	v16 =	vmul.f32 $2.307692320e-01, v17;
	v17 =	vld.idx.msk [tilespmem:v6+s2+$0x0], $0xffff  }
0x1e: {  	v13 =	vsub.f32 v13, v15;
	v15 =	vsel vm2, $0x0, v18  }
0x1f: {  	v16 =	vsel vm1, $0x0, v16;
	v14 =	vadd.f32 v15, v14;
	v15 =	vmul.f32 $3.076923190e-01, v18;
	v18 =	vld.idx.msk [tilespmem:v7+s2+$0x0], $0xffff  }
0x20: {  	v13 =	vsub.f32 v13, v16;
	v16 =	vsel vm3, $0x0, v19  }
0x21: {  	v15 =	vsel vm2, $0x0, v15;
	v14 =	vadd.f32 v16, v14;
	v16 =	vmul.f32 $3.846153910e-01, v19;
	v19 =	vld.idx.msk [tilespmem:v8+s2+$0x0], $0xffff  }
0x22: {  	v13 =	vsub.f32 v13, v15;
	v15 =	vsel vm4, $0x0, v17  }
0x23: {  	v16 =	vsel vm3, $0x0, v16;
	v14 =	vadd.f32 v15, v14;
	v15 =	vmul.f32 $4.615384640e-01, v17;
	v17 =	vld.idx.msk [tilespmem:v9+s2+$0x0], $0xffff  }
0x24: {  	v13 =	vsub.f32 v13, v16;
	v16 =	vsel vm5, $0x0, v18  }
0x25: {  	v15 =	vsel vm4, $0x0, v15;
	v14 =	vadd.f32 v16, v14;
	v16 =	vmul.f32 $5.384615660e-01, v18;
	v18 =	vld.idx.msk [tilespmem:v10+s2+$0x0], $0xffff  }
0x26: {  	v13 =	vsub.f32 v13, v15;
	v15 =	vsel vm6, $0x0, v19  }
0x27: {  	v16 =	vsel vm5, $0x0, v16;
	v14 =	vadd.f32 v15, v14;
	v15 =	vmul.f32 $6.153846380e-01, v19;
	v19 =	vld.idx.msk [tilespmem:v11+s2+$0x0], $0xffff  }
0x28: {  	v13 =	vsub.f32 v13, v16;
	v16 =	vsel vm7, $0x0, v17  }
0x29: {  	v15 =	vsel vm6, $0x0, v15;
	v14 =	vadd.f32 v16, v14;
	v16 =	vmul.f32 $6.923077110e-01, v17;
	v17 =	vld.idx.msk [tilespmem:v12+s2+$0x0], $0xffff  }
0x2a: {  	v13 =	vsub.f32 v13, v15;
	v15 =	vsel vm8, $0x0, v18  }
0x2b: {  	v16 =	vsel vm7, $0x0, v16;
	v14 =	vadd.f32 v15, v14;
	v15 =	vmul.f32 $7.692307820e-01, v18  }
0x2c: {  	v13 =	vsub.f32 v13, v16;
	v16 =	vsel vm9, $0x0, v19  }
0x2d: {  	v15 =	vsel vm8, $0x0, v15;
	v14 =	vadd.f32 v16, v14;
	v16 =	vmul.f32 $8.461538550e-01, v19  }
0x2e: {  	v13 =	vsub.f32 v13, v15;
	v15 =	vsel vm10, $0x0, v17  }
0x2f: {  	v16 =	vsel vm9, $0x0, v16;
	v14 =	vadd.f32 v15, v14;
	v15 =	vmul.f32 $9.230769270e-01, v17  }
0x30: {  	v13 =	vsub.f32 v13, v16  }
0x31: {  	v15 =	vsel vm10, $0x0, v15;
	v14 =	vmul.f32 $7.692307980e-02, v14  }
0x32: {  	v13 =	vsub.f32 v13, v15  }
0x33: {  	[tilespmem:$0x30] =	vst v14  }
0x34: {  	[tilespmem:$0x40] =	vst v13  }
0x35: {  	[tilespmem:s10], [sflag:$0x1] =	stream.linear.gather [hbm4b:s4+s2], $0x4000, $0x38;
	[tilespmem:$0x10050] =	vst v63  }
0x36: {  	_ = 	snop  }
0x37: {  	[tilespmem:s11], [sflag:$0x2] =	stream.linear.gather [hbm4b:s5+s2], $0x4000, $0x38;
	[tilespmem:$0x10050] =	vst v63  }
0x38: {  	_ =	swait.ge [sflag:s12], $0x4000  }
0x39: {  	[sflag:s12] =	ssyncset.done $0x0  }
0x3a: {  	s21 =	simm.s32 $0x90;
	[sflag:s12] =	ssyncadd.s32 $0xFFFFC000  }
0x3b: {  	v13 =	vld [tilespmem:s21+$0x30]  }
0x3c: {  	v14 =	vld [tilespmem:s21+$0xFFFFFFD0]  }
0x3d: {  	v15 =	vld [tilespmem:s21+$0xFFFFFFE0]  }
0x3e: {  	v16 =	vld [tilespmem:s21+$0xFFFFFFC0]  }
0x3f: {  	v17 =	vld [tilespmem:s21+$0xFFFFFFF0]  }
0x40: {  	v20 =	vld [tilespmem:s21+$0x0]  }
0x41: {  	v22 =	vld [tilespmem:s21+$0x10]  }
0x42: {  	v25 =	vld [tilespmem:s21+$0x20];
	v13 =	vmul.f32 $1.299999900e+01, v13  }
0x43: {  	v14 =	vmul.f32 $1.299999900e+01, v14;
	v15 =	vmul.f32 $1.299999900e+01, v15  }
0x44: {  	s31 =	simm.s32 $0x110;
	v16 =	vmul.f32 $1.299999900e+01, v16;
	v24 =	vmul.f32 $1.299999900e+01, v17  }
0x45: {  	v37 =	vld [tilespmem:s31+$0xFFFFFFF0];
	v30 =	vmul.f32 $1.299999900e+01, v20;
	v18 =	vtrunc.f32 v13  }
0x46: {  	v38 =	vld [tilespmem:s31+$0x0];
	v32 =	vmul.f32 $1.299999900e+01, v22;
	v18 =	vcvt.f32.s32 v18  }
0x47: {  	v39 =	vld [tilespmem:s31+$0x10];
	v35 =	vmul.f32 $1.299999900e+01, v25;
	v17 =	vtrunc.f32 v14  }
0x48: {  	v41 =	vld [tilespmem:s31+$0xFFFFFFC0];
	v19 =	vtrunc.f32 v16;
	v17 =	vcvt.f32.s32 v17  }
0x49: {  	v20 =	vld [tilespmem:s31+$0x30];
	v21 =	vtrunc.f32 v15;
	v19 =	vcvt.f32.s32 v19  }
0x4a: {  	v25 =	vld [tilespmem:s31+$0xFFFFFFD0];
	v22 =	vtrunc.f32 v30;
	v21 =	vcvt.f32.s32 v21  }
0x4b: {  	v23 =	vtrunc.f32 v24;
	v34 =	vcvt.f32.s32 v22;
	v22 =	vld [tilespmem:s31+$0xFFFFFFE0]  }
0x4c: {  	v26 =	vcvt.f32.s32 v23;
	v23 =	vld.idx.msk [tilespmem:v18+s13+$0x0], $0xffff  }
0x4d: {  	v33 =	vtrunc.f32 v32;
	v27 =	vld.idx.msk [tilespmem:v18+s14+$0x0], $0xffff  }
0x4e: {  	v36 =	vtrunc.f32 v35;
	v33 =	vcvt.f32.s32 v33;
	v18 =	vld.idx.msk [tilespmem:v17+s13+$0x0], $0xffff  }
0x4f: {  	v36 =	vcvt.f32.s32 v36;
	v28 =	vld.idx.msk [tilespmem:v19+s13+$0x0], $0xffff  }
0x50: {  	v40 =	vmul.f32 $1.299999900e+01, v20;
	v29 =	vld.idx.msk [tilespmem:v21+s13+$0x0], $0xffff  }
0x51: {  	v20 =	vld [tilespmem:s31+$0x20]  }
0x52: {  	v42 =	vtrunc.f32 v40;
	v31 =	vld.idx.msk [tilespmem:v26+s13+$0x0], $0xffff  }
0x53: {  	v42 =	vcvt.f32.s32 v42;
	v44 =	vld.idx.msk [tilespmem:v34+s13+$0x0], $0xffff;
	v43 =	vmul.f32 v23, v13  }
0x54: {  	v46 =	vld.idx.msk [tilespmem:v33+s13+$0x0], $0xffff;
	v45 =	vmul.f32 v18, v14;
	v28 =	vmul.f32 v28, v16  }
0x55: {  	v47 =	vld.idx.msk [tilespmem:v36+s13+$0x0], $0xffff;
	v29 =	vmul.f32 v29, v15;
	v18 =	vmul.f32 $1.299999900e+01, v25  }
0x56: {  	v52 =	vld.idx.msk [tilespmem:v17+s14+$0x0], $0xffff;
	v15 =	vmul.f32 $1.299999900e+01, v22;
	v13 =	vmul.f32 $1.299999900e+01, v37  }
0x57: {  	v53 =	vld.idx.msk [tilespmem:v21+s14+$0x0], $0xffff;
	v23 =	vmul.f32 $1.299999900e+01, v41;
	v14 =	vmul.f32 $1.299999900e+01, v38  }
0x58: {  	v26 =	vld.idx.msk [tilespmem:v26+s14+$0x0], $0xffff;
	v31 =	vmul.f32 v31, v24;
	v16 =	vtrunc.f32 v18  }
0x59: {  	v25 =	vld.idx.msk [tilespmem:v19+s14+$0x0], $0xffff;
	v21 =	vtrunc.f32 v23;
	v19 =	vcvt.f32.s32 v16  }
0x5a: {  	v54 =	vld.idx.msk [tilespmem:v42+s13+$0x0], $0xffff;
	v17 =	vtrunc.f32 v15;
	v22 =	vcvt.f32.s32 v21  }
0x5b: {  	v56 =	vld.idx.msk [tilespmem:v34+s14+$0x0], $0xffff;
	v55 =	vtrunc.f32 v13;
	v21 =	vcvt.f32.s32 v17  }
0x5c: {  	v42 =	vld.idx.msk [tilespmem:v42+s14+$0x0], $0xffff;
	v43 =	vadd.f32 v27, v43;
	v17 =	vmul.f32 $1.299999900e+01, v20;
	v20 =	vcvt.f32.s32 v55  }
0x5d: {  	s21 =	simm.s32 $0x8090;
	v60 =	vmul.f32 v44, v30;
	v30 =	vmul.f32 v47, v35;
	v27 =	vld.idx.msk [tilespmem:v33+s14+$0x0], $0xffff;
	v59 =	vadd.f32 v52, v45  }
0x5e: {  	v24 =	vtrunc.f32 v14;
	v61 =	vadd.f32 v53, v29;
	[tilespmem:s21+$0x30] =	vst v43;
	v25 =	vadd.f32 v25, v28;
	v28 =	vld.idx.msk [tilespmem:v36+s14+$0x0], $0xffff  }
0x5f: {  	v63 =	vadd.f32 v26, v31;
	v16 =	vmul.f32 $1.299999900e+01, v39;
	[tilespmem:s21+$0xFFFFFFD0] =	vst v59;
	v62 =	vmul.f32 v54, v40;
	v29 =	vld.idx.msk [tilespmem:v19+s13+$0x0], $0xffff  }
0x60: {  	v33 =	vmul.f32 v46, v32;
	v24 =	vcvt.f32.s32 v24;
	[tilespmem:s21+$0xFFFFFFE0] =	vst v61;
	v34 =	vld.idx.msk [tilespmem:v22+s13+$0x0], $0xffff  }
0x61: {  	[tilespmem:s21+$0xFFFFFFF0] =	vst v63;
	v57 =	vtrunc.f32 v16;
	v58 =	vtrunc.f32 v17;
	v35 =	vadd.f32 v42, v62;
	v32 =	vld.idx.msk [tilespmem:v21+s13+$0x0], $0xffff  }
0x62: {  	s23 =	simm.s32 $0x80;
	s24 =	simm.s32 $0x190;
	s22 =	simm.s32 $0x8110;
	v36 =	vadd.f32 v56, v60;
	v26 =	vcvt.f32.s32 v58;
	[tilespmem:s21+$0xFFFFFFC0] =	vst v25;
	v25 =	vcvt.f32.s32 v57;
	v31 =	vld.idx.msk [tilespmem:v20+s13+$0x0], $0xffff  }
.LBB2_2:
0x63: {  	v37 =	vld [tilespmem:s24+$0x30];
	s23 =	sadd.s32 $0x80, s23;
	[tilespmem:s22+$0x30] =	vst v35;
	v27 =	vadd.f32 v27, v33  }
0x64: {  	v28 =	vadd.f32 v28, v30;
	v33 =	vld [tilespmem:s24+$0xFFFFFFD0];
	p0 =	slt.u32 s23, $0x3F80;
	[tilespmem:s21+$0x0] =	vst v36  }
0x65: {  	v29 =	vmul.f32 v29, v18;
	v30 =	vld [tilespmem:s24+$0xFFFFFFE0];
	[tilespmem:s21+$0x10] =	vst v27  }
0x66: {  	v34 =	vmul.f32 v34, v23;
	v27 =	vld [tilespmem:s24+$0xFFFFFFF0];
	[tilespmem:s21+$0x20] =	vst v28;
	s21 =	smov.u32 s22  }
0x67: {  	v28 =	vmul.f32 v32, v15;
	v23 =	vld [tilespmem:s24+$0x0]  }
0x68: {  	v31 =	vmul.f32 v31, v13;
	v32 =	vld [tilespmem:s24+$0x10];
	v35 =	vmul.f32 $1.299999900e+01, v37  }
0x69: {  	v18 =	vmul.f32 $1.299999900e+01, v33;
	v33 =	vld [tilespmem:s24+$0x20]  }
0x6a: {  	v36 =	vld [tilespmem:s24+$0xFFFFFFC0];
	v15 =	vmul.f32 $1.299999900e+01, v30;
	v30 =	vtrunc.f32 v35  }
0x6b: {  	v13 =	vmul.f32 $1.299999900e+01, v27;
	v27 =	vcvt.f32.s32 v30;
	v30 =	vld.idx.msk [tilespmem:v24+s13+$0x0], $0xffff  }
0x6c: {  	v37 =	vtrunc.f32 v18;
	v38 =	vmul.f32 $1.299999900e+01, v23;
	v39 =	vld.idx.msk [tilespmem:v25+s13+$0x0], $0xffff  }
0x6d: {  	v40 =	vtrunc.f32 v15;
	v32 =	vmul.f32 $1.299999900e+01, v32;
	v41 =	vld.idx.msk [tilespmem:v26+s13+$0x0], $0xffff  }
0x6e: {  	v42 =	vtrunc.f32 v13;
	v43 =	vmul.f32 $1.299999900e+01, v33;
	v33 =	vld.idx.msk [tilespmem:v22+s14+$0x0], $0xffff  }
0x6f: {  	v23 =	vmul.f32 $1.299999900e+01, v36;
	v36 =	vtrunc.f32 v38;
	v44 =	vld.idx.msk [tilespmem:v19+s14+$0x0], $0xffff  }
0x70: {  	v45 =	vtrunc.f32 v32;
	v46 =	vtrunc.f32 v43;
	v47 =	vld.idx.msk [tilespmem:v21+s14+$0x0], $0xffff  }
0x71: {  	v19 =	vcvt.f32.s32 v37;
	v21 =	vtrunc.f32 v23;
	v37 =	vld.idx.msk [tilespmem:v27+s13+$0x0], $0xffff  }
0x72: {  	v22 =	vcvt.f32.s32 v21;
	v21 =	vcvt.f32.s32 v40;
	v40 =	vld.idx.msk [tilespmem:v20+s14+$0x0], $0xffff  }
0x73: {  	v36 =	vcvt.f32.s32 v36;
	v20 =	vcvt.f32.s32 v42;
	v42 =	vld.idx.msk [tilespmem:v27+s14+$0x0], $0xffff  }
0x74: {  	v45 =	vcvt.f32.s32 v45;
	v46 =	vcvt.f32.s32 v46;
	v34 =	vadd.f32 v33, v34;
	v48 =	vld.idx.msk [tilespmem:v24+s14+$0x0], $0xffff  }
0x75: {  	v33 =	vmul.f32 v39, v16;
	v49 =	vadd.f32 v44, v29;
	v44 =	vmul.f32 v30, v14;
	v27 =	vld.idx.msk [tilespmem:v25+s14+$0x0], $0xffff  }
.Ltmp0:
0x76: {  	v30 =	vmul.f32 v41, v17;
	v14 =	vmov v38;
	v39 =	vadd.f32 v47, v28;
	[tilespmem:s22+$0xFFFFFFC0] =	vst v34;
	v28 =	vld.idx.msk [tilespmem:v26+s14+$0x0], $0xffff;
	(pc) =	sbr.rel @p0 .LBB2_2-.Ltmp0, $4  }
0x77: {  	v16 =	vmovc v32;
	v17 =	vmov v43;
	v24 =	vmov v36;
	v35 =	vmul.f32 v37, v35;
	v29 =	vld.idx.msk [tilespmem:v19+s13+$0x0], $0xffff;
	[tilespmem:s22+$0xFFFFFFD0] =	vst v49  }
0x78: {  	v25 =	vmov v45;
	v26 =	vmov v46;
	v36 =	vadd.f32 v40, v31;
	v34 =	vld.idx.msk [tilespmem:v22+s13+$0x0], $0xffff;
	[tilespmem:s22+$0xFFFFFFE0] =	vst v39  }
0x79: {  	v35 =	vadd.f32 v42, v35;
	v32 =	vld.idx.msk [tilespmem:v21+s13+$0x0], $0xffff  }
0x7a: {  	s24 =	sadd.s32 $0x80, s24;
	s22 =	sadd.s32 $0x80, s22;
	v31 =	vld.idx.msk [tilespmem:v20+s13+$0x0], $0xffff;
	[tilespmem:s21+$0xFFFFFFF0] =	vst v36;
	v36 =	vadd.f32 v48, v44  }
0x7b: {  	_ =	sdelay $0x3  }
0x7c: {  	v37 =	vld.idx.msk [tilespmem:v24+s13+$0x0], $0xffff  }
0x7d: {  	v38 =	vld.idx.msk [tilespmem:v25+s13+$0x0], $0xffff  }
0x7e: {  	v39 =	vld.idx.msk [tilespmem:v26+s13+$0x0], $0xffff  }
0x7f: {  	v22 =	vld.idx.msk [tilespmem:v22+s14+$0x0], $0xffff  }
0x80: {  	v19 =	vld.idx.msk [tilespmem:v19+s14+$0x0], $0xffff  }
0x81: {  	v21 =	vld.idx.msk [tilespmem:v21+s14+$0x0], $0xffff  }
0x82: {  	[tilespmem:s22+$0x30] =	vst v35;
	v27 =	vadd.f32 v27, v33;
	v20 =	vld.idx.msk [tilespmem:v20+s14+$0x0], $0xffff;
	v23 =	vmul.f32 v34, v23  }
0x83: {  	v28 =	vadd.f32 v28, v30;
	v24 =	vld.idx.msk [tilespmem:v24+s14+$0x0], $0xffff;
	[tilespmem:s21+$0x0] =	vst v36;
	v18 =	vmul.f32 v29, v18  }
0x84: {  	[tilespmem:s21+$0x10] =	vst v27;
	v15 =	vmul.f32 v32, v15;
	v22 =	vadd.f32 v22, v23;
	v23 =	vld.idx.msk [tilespmem:v25+s14+$0x0], $0xffff  }
0x85: {  	[tilespmem:s21+$0x20] =	vst v28;
	v13 =	vmul.f32 v31, v13;
	v18 =	vadd.f32 v19, v18;
	v19 =	vld.idx.msk [tilespmem:v26+s14+$0x0], $0xffff  }
0x86: {  	v14 =	vmul.f32 v37, v14;
	v15 =	vadd.f32 v21, v15;
	[tilespmem:s22+$0xFFFFFFC0] =	vst v22  }
0x87: {  	v16 =	vmul.f32 v38, v16;
	v13 =	vadd.f32 v20, v13;
	[tilespmem:s22+$0xFFFFFFD0] =	vst v18  }
0x88: {  	v17 =	vmul.f32 v39, v17;
	[tilespmem:s22+$0xFFFFFFE0] =	vst v15;
	v14 =	vadd.f32 v24, v14  }
0x89: {  	[tilespmem:s22+$0xFFFFFFF0] =	vst v13;
	v13 =	vadd.f32 v23, v16  }
0x8a: {  	[tilespmem:s22+$0x0] =	vst v14;
	v14 =	vadd.f32 v19, v17  }
0x8b: {  	[tilespmem:s22+$0x10] =	vst v13  }
0x8c: {  	[tilespmem:s22+$0x20] =	vst v14  }
0x8d: {  	[hbm4b:s6+s2] =	stream.linear.scatter [tilespmem:s15], [sflag:$0x3], $0x4000, $0x38;
	[tilespmem:$0x10050] =	vst v63  }
0x8e: {  	_ =	swait.ge [sflag:s16], $0x4000  }
0x8f: {  	[sflag:s16] =	ssyncset.done $0x0  }
0x90: {  	s30 =	simm.s32 $0x4090;
	[sflag:s16] =	ssyncadd.s32 $0xFFFFC000  }
0x91: {  	v13 =	vld [tilespmem:s30+$0x30]  }
0x92: {  	v14 =	vld [tilespmem:s30+$0xFFFFFFD0]  }
0x93: {  	v15 =	vld [tilespmem:s30+$0xFFFFFFE0]  }
0x94: {  	v16 =	vld [tilespmem:s30+$0xFFFFFFC0]  }
0x95: {  	v17 =	vld [tilespmem:s30+$0xFFFFFFF0]  }
0x96: {  	v20 =	vld [tilespmem:s30+$0x0]  }
0x97: {  	v22 =	vld [tilespmem:s30+$0x10]  }
0x98: {  	v25 =	vld [tilespmem:s30+$0x20];
	v13 =	vmul.f32 $1.299999900e+01, v13  }
0x99: {  	v14 =	vmul.f32 $1.299999900e+01, v14;
	v15 =	vmul.f32 $1.299999900e+01, v15  }
0x9a: {  	s31 =	simm.s32 $0x4110;
	v16 =	vmul.f32 $1.299999900e+01, v16;
	v24 =	vmul.f32 $1.299999900e+01, v17  }
0x9b: {  	v49 =	vld [tilespmem:s31+$0xFFFFFFF0];
	v30 =	vmul.f32 $1.299999900e+01, v20;
	v18 =	vtrunc.f32 v13  }
0x9c: {  	v50 =	vld [tilespmem:s31+$0x0];
	v32 =	vmul.f32 $1.299999900e+01, v22;
	v18 =	vcvt.f32.s32 v18  }
0x9d: {  	v51 =	vld [tilespmem:s31+$0x10];
	v35 =	vmul.f32 $1.299999900e+01, v25;
	v17 =	vtrunc.f32 v14  }
0x9e: {  	v41 =	vld [tilespmem:s31+$0xFFFFFFC0];
	v19 =	vtrunc.f32 v16;
	v17 =	vcvt.f32.s32 v17  }
0x9f: {  	v20 =	vld [tilespmem:s31+$0x30];
	v21 =	vtrunc.f32 v15;
	v19 =	vcvt.f32.s32 v19  }
0xa0: {  	v25 =	vld [tilespmem:s31+$0xFFFFFFD0];
	v22 =	vtrunc.f32 v30;
	v21 =	vcvt.f32.s32 v21  }
0xa1: {  	v23 =	vtrunc.f32 v24;
	v63 =	vcvt.f32.s32 v22;
	v22 =	vld [tilespmem:s31+$0xFFFFFFE0]  }
0xa2: {  	v26 =	vcvt.f32.s32 v23;
	v23 =	vld.idx.msk [tilespmem:v18+s13+$0x0], $0xffff  }
0xa3: {  	v62 =	vtrunc.f32 v32;
	v27 =	vld.idx.msk [tilespmem:v18+s14+$0x0], $0xffff  }
0xa4: {  	v48 =	vtrunc.f32 v35;
	v33 =	vcvt.f32.s32 v62;
	v18 =	vld.idx.msk [tilespmem:v17+s13+$0x0], $0xffff  }
0xa5: {  	v36 =	vcvt.f32.s32 v48;
	v28 =	vld.idx.msk [tilespmem:v19+s13+$0x0], $0xffff  }
0xa6: {  	v40 =	vmul.f32 $1.299999900e+01, v20;
	v29 =	vld.idx.msk [tilespmem:v21+s13+$0x0], $0xffff  }
0xa7: {  	v20 =	vld [tilespmem:s31+$0x20]  }
0xa8: {  	v42 =	vtrunc.f32 v40;
	v31 =	vld.idx.msk [tilespmem:v26+s13+$0x0], $0xffff  }
0xa9: {  	v42 =	vcvt.f32.s32 v42;
	v44 =	vld.idx.msk [tilespmem:v63+s13+$0x0], $0xffff;
	v43 =	vmul.f32 v23, v13  }
0xaa: {  	v46 =	vld.idx.msk [tilespmem:v33+s13+$0x0], $0xffff;
	v45 =	vmul.f32 v18, v14;
	v28 =	vmul.f32 v28, v16  }
0xab: {  	v47 =	vld.idx.msk [tilespmem:v36+s13+$0x0], $0xffff;
	v29 =	vmul.f32 v29, v15;
	v18 =	vmul.f32 $1.299999900e+01, v25  }
0xac: {  	v52 =	vld.idx.msk [tilespmem:v17+s14+$0x0], $0xffff;
	v15 =	vmul.f32 $1.299999900e+01, v22;
	v13 =	vmul.f32 $1.299999900e+01, v49  }
0xad: {  	v53 =	vld.idx.msk [tilespmem:v21+s14+$0x0], $0xffff;
	v23 =	vmul.f32 $1.299999900e+01, v41;
	v14 =	vmul.f32 $1.299999900e+01, v50  }
0xae: {  	v26 =	vld.idx.msk [tilespmem:v26+s14+$0x0], $0xffff;
	v31 =	vmul.f32 v31, v24;
	v16 =	vtrunc.f32 v18  }
0xaf: {  	v25 =	vld.idx.msk [tilespmem:v19+s14+$0x0], $0xffff;
	v21 =	vtrunc.f32 v23;
	v19 =	vcvt.f32.s32 v16  }
0xb0: {  	v54 =	vld.idx.msk [tilespmem:v42+s13+$0x0], $0xffff;
	v17 =	vtrunc.f32 v15;
	v22 =	vcvt.f32.s32 v21  }
0xb1: {  	v56 =	vld.idx.msk [tilespmem:v63+s14+$0x0], $0xffff;
	v55 =	vtrunc.f32 v13;
	v21 =	vcvt.f32.s32 v17  }
0xb2: {  	v42 =	vld.idx.msk [tilespmem:v42+s14+$0x0], $0xffff;
	v43 =	vadd.f32 v27, v43;
	v17 =	vmul.f32 $1.299999900e+01, v20;
	v20 =	vcvt.f32.s32 v55  }
0xb3: {  	s21 =	simm.s32 $0xC090;
	v60 =	vmul.f32 v44, v30;
	v30 =	vmul.f32 v47, v35;
	v27 =	vld.idx.msk [tilespmem:v33+s14+$0x0], $0xffff;
	v59 =	vadd.f32 v52, v45  }
0xb4: {  	v24 =	vtrunc.f32 v14;
	v61 =	vadd.f32 v53, v29;
	[tilespmem:s21+$0x30] =	vst v43;
	v25 =	vadd.f32 v25, v28;
	v28 =	vld.idx.msk [tilespmem:v36+s14+$0x0], $0xffff  }
0xb5: {  	v63 =	vadd.f32 v26, v31;
	v16 =	vmul.f32 $1.299999900e+01, v51;
	[tilespmem:s21+$0xFFFFFFD0] =	vst v59;
	v62 =	vmul.f32 v54, v40;
	v29 =	vld.idx.msk [tilespmem:v19+s13+$0x0], $0xffff  }
0xb6: {  	v33 =	vmul.f32 v46, v32;
	v24 =	vcvt.f32.s32 v24;
	[tilespmem:s21+$0xFFFFFFE0] =	vst v61;
	v34 =	vld.idx.msk [tilespmem:v22+s13+$0x0], $0xffff  }
0xb7: {  	[tilespmem:s21+$0xFFFFFFF0] =	vst v63;
	v57 =	vtrunc.f32 v16;
	v58 =	vtrunc.f32 v17;
	v35 =	vadd.f32 v42, v62;
	v32 =	vld.idx.msk [tilespmem:v21+s13+$0x0], $0xffff  }
0xb8: {  	s23 =	simm.s32 $0x80;
	s24 =	simm.s32 $0x4190;
	s22 =	simm.s32 $0xC110;
	v36 =	vadd.f32 v56, v60;
	v26 =	vcvt.f32.s32 v58;
	[tilespmem:s21+$0xFFFFFFC0] =	vst v25;
	v25 =	vcvt.f32.s32 v57;
	v31 =	vld.idx.msk [tilespmem:v20+s13+$0x0], $0xffff  }
.LBB2_4:
0xb9: {  	v37 =	vld [tilespmem:s24+$0x30];
	s23 =	sadd.s32 $0x80, s23;
	[tilespmem:s22+$0x30] =	vst v35;
	v27 =	vadd.f32 v27, v33  }
0xba: {  	v28 =	vadd.f32 v28, v30;
	v33 =	vld [tilespmem:s24+$0xFFFFFFD0];
	p0 =	slt.u32 s23, $0x3F80;
	[tilespmem:s21+$0x0] =	vst v36  }
0xbb: {  	v29 =	vmul.f32 v29, v18;
	v30 =	vld [tilespmem:s24+$0xFFFFFFE0];
	[tilespmem:s21+$0x10] =	vst v27  }
0xbc: {  	v34 =	vmul.f32 v34, v23;
	v27 =	vld [tilespmem:s24+$0xFFFFFFF0];
	[tilespmem:s21+$0x20] =	vst v28;
	s21 =	smov.u32 s22  }
0xbd: {  	v28 =	vmul.f32 v32, v15;
	v23 =	vld [tilespmem:s24+$0x0]  }
0xbe: {  	v31 =	vmul.f32 v31, v13;
	v32 =	vld [tilespmem:s24+$0x10];
	v35 =	vmul.f32 $1.299999900e+01, v37  }
0xbf: {  	v18 =	vmul.f32 $1.299999900e+01, v33;
	v33 =	vld [tilespmem:s24+$0x20]  }
0xc0: {  	v36 =	vld [tilespmem:s24+$0xFFFFFFC0];
	v15 =	vmul.f32 $1.299999900e+01, v30;
	v30 =	vtrunc.f32 v35  }
0xc1: {  	v13 =	vmul.f32 $1.299999900e+01, v27;
	v27 =	vcvt.f32.s32 v30;
	v30 =	vld.idx.msk [tilespmem:v24+s13+$0x0], $0xffff  }
0xc2: {  	v37 =	vtrunc.f32 v18;
	v38 =	vmul.f32 $1.299999900e+01, v23;
	v39 =	vld.idx.msk [tilespmem:v25+s13+$0x0], $0xffff  }
0xc3: {  	v40 =	vtrunc.f32 v15;
	v32 =	vmul.f32 $1.299999900e+01, v32;
	v41 =	vld.idx.msk [tilespmem:v26+s13+$0x0], $0xffff  }
0xc4: {  	v42 =	vtrunc.f32 v13;
	v43 =	vmul.f32 $1.299999900e+01, v33;
	v33 =	vld.idx.msk [tilespmem:v22+s14+$0x0], $0xffff  }
0xc5: {  	v23 =	vmul.f32 $1.299999900e+01, v36;
	v36 =	vtrunc.f32 v38;
	v44 =	vld.idx.msk [tilespmem:v19+s14+$0x0], $0xffff  }
0xc6: {  	v45 =	vtrunc.f32 v32;
	v46 =	vtrunc.f32 v43;
	v47 =	vld.idx.msk [tilespmem:v21+s14+$0x0], $0xffff  }
0xc7: {  	v19 =	vcvt.f32.s32 v37;
	v21 =	vtrunc.f32 v23;
	v37 =	vld.idx.msk [tilespmem:v27+s13+$0x0], $0xffff  }
0xc8: {  	v22 =	vcvt.f32.s32 v21;
	v21 =	vcvt.f32.s32 v40;
	v40 =	vld.idx.msk [tilespmem:v20+s14+$0x0], $0xffff  }
0xc9: {  	v36 =	vcvt.f32.s32 v36;
	v20 =	vcvt.f32.s32 v42;
	v42 =	vld.idx.msk [tilespmem:v27+s14+$0x0], $0xffff  }
0xca: {  	v45 =	vcvt.f32.s32 v45;
	v46 =	vcvt.f32.s32 v46;
	v34 =	vadd.f32 v33, v34;
	v48 =	vld.idx.msk [tilespmem:v24+s14+$0x0], $0xffff  }
0xcb: {  	v33 =	vmul.f32 v39, v16;
	v49 =	vadd.f32 v44, v29;
	v44 =	vmul.f32 v30, v14;
	v27 =	vld.idx.msk [tilespmem:v25+s14+$0x0], $0xffff  }
.Ltmp1:
0xcc: {  	v30 =	vmul.f32 v41, v17;
	v14 =	vmov v38;
	v39 =	vadd.f32 v47, v28;
	[tilespmem:s22+$0xFFFFFFC0] =	vst v34;
	v28 =	vld.idx.msk [tilespmem:v26+s14+$0x0], $0xffff;
	(pc) =	sbr.rel @p0 .LBB2_4-.Ltmp1, $4  }
0xcd: {  	v16 =	vmovc v32;
	v17 =	vmov v43;
	v24 =	vmov v36;
	v35 =	vmul.f32 v37, v35;
	v29 =	vld.idx.msk [tilespmem:v19+s13+$0x0], $0xffff;
	[tilespmem:s22+$0xFFFFFFD0] =	vst v49  }
0xce: {  	v25 =	vmov v45;
	v26 =	vmov v46;
	v36 =	vadd.f32 v40, v31;
	v34 =	vld.idx.msk [tilespmem:v22+s13+$0x0], $0xffff;
	[tilespmem:s22+$0xFFFFFFE0] =	vst v39  }
0xcf: {  	v35 =	vadd.f32 v42, v35;
	v32 =	vld.idx.msk [tilespmem:v21+s13+$0x0], $0xffff  }
0xd0: {  	s24 =	sadd.s32 $0x80, s24;
	s22 =	sadd.s32 $0x80, s22;
	v31 =	vld.idx.msk [tilespmem:v20+s13+$0x0], $0xffff;
	[tilespmem:s21+$0xFFFFFFF0] =	vst v36;
	v36 =	vadd.f32 v48, v44  }
0xd1: {  	_ =	sdelay $0x3  }
0xd2: {  	v37 =	vld.idx.msk [tilespmem:v24+s13+$0x0], $0xffff  }
0xd3: {  	v38 =	vld.idx.msk [tilespmem:v25+s13+$0x0], $0xffff  }
0xd4: {  	v39 =	vld.idx.msk [tilespmem:v26+s13+$0x0], $0xffff  }
0xd5: {  	v22 =	vld.idx.msk [tilespmem:v22+s14+$0x0], $0xffff  }
0xd6: {  	v19 =	vld.idx.msk [tilespmem:v19+s14+$0x0], $0xffff  }
0xd7: {  	v21 =	vld.idx.msk [tilespmem:v21+s14+$0x0], $0xffff  }
0xd8: {  	[tilespmem:s22+$0x30] =	vst v35;
	v27 =	vadd.f32 v27, v33;
	v20 =	vld.idx.msk [tilespmem:v20+s14+$0x0], $0xffff;
	v23 =	vmul.f32 v34, v23  }
0xd9: {  	v28 =	vadd.f32 v28, v30;
	v61 =	vld.idx.msk [tilespmem:v24+s14+$0x0], $0xffff;
	[tilespmem:s21+$0x0] =	vst v36;
	v18 =	vmul.f32 v29, v18  }
0xda: {  	v62 =	vld.idx.msk [tilespmem:v25+s14+$0x0], $0xffff;
	[tilespmem:s21+$0x10] =	vst v27;
	v15 =	vmul.f32 v32, v15;
	v22 =	vadd.f32 v22, v23  }
0xdb: {  	v63 =	vld.idx.msk [tilespmem:v26+s14+$0x0], $0xffff;
	[tilespmem:s21+$0x20] =	vst v28;
	v13 =	vmul.f32 v31, v13;
	v18 =	vadd.f32 v19, v18  }
0xdc: {  	v14 =	vmul.f32 v37, v14;
	v15 =	vadd.f32 v21, v15;
	[tilespmem:s22+$0xFFFFFFC0] =	vst v22  }
0xdd: {  	v16 =	vmul.f32 v38, v16;
	v13 =	vadd.f32 v20, v13;
	[tilespmem:s22+$0xFFFFFFD0] =	vst v18  }
0xde: {  	v17 =	vmul.f32 v39, v17;
	[tilespmem:s22+$0xFFFFFFE0] =	vst v15;
	v14 =	vadd.f32 v61, v14  }
0xdf: {  	[tilespmem:s22+$0xFFFFFFF0] =	vst v13;
	v13 =	vadd.f32 v62, v16  }
0xe0: {  	[tilespmem:s22+$0x0] =	vst v14;
	v14 =	vadd.f32 v63, v17  }
0xe1: {  	[tilespmem:s22+$0x10] =	vst v13  }
0xe2: {  	s20 =	sadd.s32 $0x1, s20;
	[tilespmem:s22+$0x20] =	vst v14  }
0xe3: {  	[hbm4b:s7+s2] =	stream.linear.scatter [tilespmem:s17], [sflag:$0x4], $0x4000, $0x38;
	[tilespmem:$0x10050] =	vst v63  }
0xe4: {  	p0 =	sne.s32 s20, s8;
	_ =	swait.ge [sflag:s18], $0x4000  }
.Ltmp2:
0xe5: {  	[sflag:s18] =	ssyncset.done $0x0;
	(pc) =	sbr.rel @p0 .LBB2_1-.Ltmp2, $4  }
0xe6: {  	[sflag:s18] =	ssyncadd.s32 $0xFFFFC000  }
0xe7: {  	_ =	swait.ge [sflag:s19], $0x4000  }
0xe8: {  	[sflag:s19] =	ssyncset.done $0x0  }
0xe9: {  	[sflag:s19] =	ssyncadd.s32 $0xFFFFC000  }
0xea: {  	_ =	sfence.sel $0x180000  }
0xeb: {  	[bflag:$0x0] =	sbarrier.arrive $0xFFFF  }
0xec: {  	p0 =	sne.s32 s1, $0x0;
	_ =	strace $0x90000047  }
0xed: {  	s0 =	sadd.s32 @!p0 $0x100000, s0;
	[bflag:$0x2] =	sbarrier.arrive $0xFFFF  }
0xee: {  	[sflag:s0] =	ssyncadd.tile.s32 @!p0 $0x1;
	_ =	shalt  }
.Lfunc_end2:
_tile_overlayer_lowered:
.L_overlay_start_2:
0xef: {  	(tag) =	ssettag $0x2  }
0xf0: {  	s0 =	rddreg [dreg:$0x0];
	s2 =	stileid.u32  }
0xf1: {  	s1 =	rddreg [dreg:$0x1];
	p0 =	sne.s32 s2, $0x0  }
0xf2: {  	s3 =	rddreg [dreg:$0x2];
	[bflag:$0x3] =	sbarrier.arrive $0xFFFF;
	s2 =	simm.s32 @!p0 $0x1C05  }
0xf3: {  	[timem:s3], [sflag:s2] =	dma.local @!p0 [hbm:s0], s1  }
0xf4: {  	s0 =	simm.s32 @!p0 $0x5  }
0xf5: {  	_ =	swait.ge @!p0 [sflag:s0], s1  }
0xf6: {  	s1 =	ssub.s32 @!p0 $0x0, s1;
	[sflag:s0] =	ssyncset.done @!p0 $0x0  }
0xf7: {  	[sflag:s0] =	ssyncadd.s32 @!p0 s1  }
0xf8: {  	[bflag:$0x3] =	sbarrier.arrive $0xFFFF  }
0xf9: {  	_ =	shalt  }

</sc_bundles>
